<compile_context>
chip_gen: v7x
topology: tpu7x:2x2x1
jax: 0.10.2.dev20260603
libtpu: 0.0.44.dev20260713+nightly
codegen_flags: <defaults>
</compile_context>

<pallas_src>
import functools

import jax
import jax.numpy as jnp
from jax import lax
from jax.experimental import pallas as pl
from jax.experimental.pallas import tpu as pltpu
from jax.experimental.pallas import tpu_sc as plsc

_S = 512
_NPIX = _S * _S
_NCORES = 2
_NSUB = 16
_NW = _NCORES * _NSUB
_PER_W = 16000
_NPAD = _NW * _PER_W
_ACC_N = _NPIX * 4
_CHUNK_G = 4000
_CROWS = _CHUNK_G * 4 // 128
_ZWORDS = _ACC_N // _NSUB

_BN = 4096


def _bf(v):
    return v.astype(jnp.bfloat16).astype(jnp.float32)


def _math_body(c2w_ref, m_ref, col_ref, q_ref, sv_ref, a_ref, idx_ref, vals_ref):
    mx, my, mz = m_ref[:, 0, :], m_ref[:, 1, :], m_ref[:, 2, :]
    cr, cg, cb = col_ref[:, 0, :], col_ref[:, 1, :], col_ref[:, 2, :]
    qw, qx, qy, qz = q_ref[:, 0, :], q_ref[:, 1, :], q_ref[:, 2, :], q_ref[:, 3, :]
    s0, s1, s2 = sv_ref[:, 0, :], sv_ref[:, 1, :], sv_ref[:, 2, :]
    al = a_ref[:, 0, :]

    r = [[c2w_ref[i, j] for j in range(3)] for i in range(3)]
    rb = [[_bf(jnp.float32(r[i][j])) for j in range(3)] for i in range(3)]
    t0 = _bf(mx - c2w_ref[0, 3])
    t1 = _bf(my - c2w_ref[1, 3])
    t2 = _bf(mz - c2w_ref[2, 3])
    px = rb[0][0] * t0 + rb[1][0] * t1 + rb[2][0] * t2
    py = rb[0][1] * t0 + rb[1][1] * t1 + rb[2][1] * t2
    pz = rb[0][2] * t0 + rb[1][2] * t1 + rb[2][2] * t2
    z = jnp.maximum(pz, 1e-3)
    u = px / z
    v = py / z

    qn = jnp.sqrt(qw * qw + qx * qx + qy * qy + qz * qz) + 1e-8
    w_, x_, y_, z_ = qw / qn, qx / qn, qy / qn, qz / qn
    r00 = 1.0 - 2.0 * (y_ * y_ + z_ * z_)
    r01 = 2.0 * (x_ * y_ - w_ * z_)
    r02 = 2.0 * (x_ * z_ + w_ * y_)
    r10 = 2.0 * (x_ * y_ + w_ * z_)
    r11 = 1.0 - 2.0 * (x_ * x_ + z_ * z_)
    r12 = 2.0 * (y_ * z_ - w_ * x_)
    r20 = 2.0 * (x_ * z_ - w_ * y_)
    r21 = 2.0 * (y_ * z_ + w_ * x_)
    r22 = 1.0 - 2.0 * (x_ * x_ + y_ * y_)

    m00, m01, m02 = _bf(s0 * r00), _bf(s1 * r01), _bf(s2 * r02)
    m10, m11, m12 = _bf(s0 * r10), _bf(s1 * r11), _bf(s2 * r12)
    m20, m21, m22 = _bf(s0 * r20), _bf(s1 * r21), _bf(s2 * r22)
    s00 = m00 * m00 + m01 * m01 + m02 * m02
    s01 = m00 * m10 + m01 * m11 + m02 * m12
    s02 = m00 * m20 + m01 * m21 + m02 * m22
    s11 = m10 * m10 + m11 * m11 + m12 * m12
    s12 = m10 * m20 + m11 * m21 + m12 * m22
    s22 = m20 * m20 + m21 * m21 + m22 * m22

    inv_z = _bf(1.0 / z)
    j02 = _bf(-px / (z * z))
    j12 = _bf(-py / (z * z))
    a00 = inv_z * rb[0][0] + j02 * rb[0][2]
    a01 = inv_z * rb[1][0] + j02 * rb[1][2]
    a02 = inv_z * rb[2][0] + j02 * rb[2][2]
    a10 = inv_z * rb[0][1] + j12 * rb[0][2]
    a11 = inv_z * rb[1][1] + j12 * rb[1][2]
    a12 = inv_z * rb[2][1] + j12 * rb[2][2]

    ba00, ba01, ba02 = _bf(a00), _bf(a01), _bf(a02)
    ba10, ba11, ba12 = _bf(a10), _bf(a11), _bf(a12)
    bs00, bs01, bs02 = _bf(s00), _bf(s01), _bf(s02)
    bs11, bs12, bs22 = _bf(s11), _bf(s12), _bf(s22)
    t00 = ba00 * bs00 + ba01 * bs01 + ba02 * bs02
    t01 = ba00 * bs01 + ba01 * bs11 + ba02 * bs12
    t02 = ba00 * bs02 + ba01 * bs12 + ba02 * bs22
    t10 = ba10 * bs00 + ba11 * bs01 + ba12 * bs02
    t11 = ba10 * bs01 + ba11 * bs11 + ba12 * bs12
    t12 = ba10 * bs02 + ba11 * bs12 + ba12 * bs22
    bt00, bt01, bt02 = _bf(t00), _bf(t01), _bf(t02)
    bt10, bt11, bt12 = _bf(t10), _bf(t11), _bf(t12)
    c00 = bt00 * ba00 + bt01 * ba01 + bt02 * ba02
    c01 = bt00 * ba10 + bt01 * ba11 + bt02 * ba12
    c10 = bt10 * ba00 + bt11 * ba01 + bt12 * ba02
    c11 = bt10 * ba10 + bt11 * ba11 + bt12 * ba12
    det = c00 * c11 - c01 * c10
    wg = al / jnp.sqrt(1.0 + jnp.abs(det))

    fx = u * float(_S) + (_S / 2.0)
    fy = v * float(_S) + (_S / 2.0)
    ix = jnp.clip(jnp.floor(fx), 0.0, _S - 1).astype(jnp.int32)
    iy = jnp.clip(jnp.floor(fy), 0.0, _S - 1).astype(jnp.int32)
    flat = iy * _S + ix
    idx_ref[0] = flat
    idx_ref[1] = flat + _NPIX
    idx_ref[2] = flat + 2 * _NPIX
    idx_ref[3] = flat + 3 * _NPIX
    vals_ref[0] = wg * cr
    vals_ref[1] = wg * cg
    vals_ref[2] = wg * cb
    vals_ref[3] = wg


def _run_math(c2w, mean_t, color_t, qvec_t, svec_t, alpha_t):
    ng = _NPAD // 128
    bg = _BN // 128
    grid = ng // bg
    inspec = lambda k: pl.BlockSpec((bg, k, 128), lambda i: (i, 0, 0))
    idx4, vals4 = pl.pallas_call(
        _math_body,
        grid=(grid,),
        in_specs=[
            pl.BlockSpec(memory_space=pltpu.SMEM),
            inspec(3), inspec(3), inspec(4), inspec(3), inspec(1),
        ],
        out_specs=[
            pl.BlockSpec((4, bg, 128), lambda i: (0, i, 0)),
            pl.BlockSpec((4, bg, 128), lambda i: (0, i, 0)),
        ],
        out_shape=[
            jax.ShapeDtypeStruct((4, ng, 128), jnp.int32),
            jax.ShapeDtypeStruct((4, ng, 128), jnp.float32),
        ],
    )(c2w, mean_t, color_t, qvec_t, svec_t, alpha_t)
    return idx4.reshape(4, _NPAD), vals4.reshape(4, _NPAD)


_SC_MESH = plsc.VectorSubcoreMesh(
    core_axis_name="c", subcore_axis_name="s",
    num_cores=_NCORES, num_subcores=_NSUB,
)


@functools.partial(
    pl.kernel,
    out_type=jax.ShapeDtypeStruct((_NCORES, _ACC_N), jnp.float32),
    mesh=_SC_MESH,
    scratch_types=[
        pltpu.VMEM((_CROWS, 128), jnp.int32),
        pltpu.VMEM((_CHUNK_G * 4,), jnp.float32),
        pltpu.VMEM_SHARED((_ACC_N,), jnp.float32),
    ],
    compiler_params=pltpu.CompilerParams(use_tc_tiling_on_sc=False),
)
def _sc_scatter(idx_hbm, vals_hbm, zeros_hbm, out_hbm, idx_v, vals_v, acc):
    c = lax.axis_index("c")
    s = lax.axis_index("s")
    wid = c * _NSUB + s
    zbase = s * _ZWORDS
    pltpu.sync_copy(zeros_hbm, acc.at[pl.ds(zbase, _ZWORDS)])
    plsc.subcore_barrier()

    for k in range(4):
        pltpu.sync_copy(idx_hbm.at[wid, k], idx_v)
        pltpu.sync_copy(vals_hbm.at[wid, k], vals_v)

        def body(j, carry):
            pltpu.sync_copy(
                vals_v.at[pl.ds(j * 128, 128)],
                acc.at[idx_v.at[j]],
                add=True,
            )
            return carry

        lax.fori_loop(0, _CROWS, body, 0)
    plsc.subcore_barrier()
    pltpu.sync_copy(acc.at[pl.ds(zbase, _ZWORDS)], out_hbm.at[c, pl.ds(zbase, _ZWORDS)])


_BP = 4096


def _final_body(p_ref, o_ref):
    w = p_ref[0, 3] + p_ref[1, 3]
    fac = (1.0 - jnp.exp(-w)) / (w + 1e-8)
    o_ref[0] = (p_ref[0, 0] + p_ref[1, 0]) * fac
    o_ref[1] = (p_ref[0, 1] + p_ref[1, 1]) * fac
    o_ref[2] = (p_ref[0, 2] + p_ref[1, 2]) * fac


def _run_final(pt):
    nb = _NPIX // 1024
    b3 = _BP // 1024
    grid = nb // b3
    rgb = pl.pallas_call(
        _final_body,
        grid=(grid,),
        in_specs=[pl.BlockSpec((_NCORES, 4, b3, 8, 128), lambda i: (0, 0, i, 0, 0))],
        out_specs=pl.BlockSpec((3, b3, 8, 128), lambda i: (0, i, 0, 0)),
        out_shape=jax.ShapeDtypeStruct((3, nb, 8, 128), jnp.float32),
    )(pt)
    return rgb.reshape(3, _NPIX)


def _tilt(a, n):
    a = jnp.pad(a, ((0, _NPAD - n), (0, 0)))
    return a.reshape(_NPAD // 128, 128, a.shape[1]).transpose(0, 2, 1)


def kernel(mean, color, qvec, svec, alpha, c2w):
    n = mean.shape[0]
    idx4, vals4 = _run_math(
        c2w.astype(jnp.float32),
        _tilt(mean, n), _tilt(color, n), _tilt(qvec, n),
        _tilt(svec, n), _tilt(alpha, n),
    )
    idx3 = idx4.reshape(_NW, 4, _CROWS, 128)
    vals = vals4.reshape(_NW, 4, _CHUNK_G * 4)
    zeros = jnp.zeros((_ZWORDS,), jnp.float32)
    part = _sc_scatter(idx3, vals, zeros)
    rgb = _run_final(part.reshape(_NCORES, 4, _NPIX // 1024, 8, 128))
    return rgb.T.reshape(_S, _S, 3)

# --- scband reference (transcript-rebuilt; emitter-appended) ---
"""Pipeline reference for scband-gaussian-splatting-renderer-72911364817586 (READ-ONLY COPY).

The authoritative reference and input builder live on the scoring server;
editing this copy changes nothing except your own understanding.
"""

import jax, jax.numpy as jnp
import numpy as np

S = 512

def _quat_to_rotmat(q):
    q = q / (jnp.linalg.norm(q, axis=-1, keepdims=True) + 1e-8)
    w, x, y, z = q[:, 0], q[:, 1], q[:, 2], q[:, 3]
    R = jnp.stack([
        jnp.stack([1 - 2*(y*y + z*z), 2*(x*y - w*z), 2*(x*z + w*y)], axis=-1),
        jnp.stack([2*(x*y + w*z), 1 - 2*(x*x + z*z), 2*(y*z - w*x)], axis=-1),
        jnp.stack([2*(x*z - w*y), 2*(y*z + w*x), 1 - 2*(x*x + y*y)], axis=-1),
    ], axis=-2)
    return R

def _splat_forward(mean, color, qvec, svec, alpha, c2w):
    # project_pts: world -> camera
    W = jnp.transpose(c2w[:3, :3])
    d = -c2w[:3, 3]
    p = jnp.einsum('ij,nj->ni', W, mean + d)
    z = jnp.clip(p[:, 2], 1e-3, None)
    uv = p[:, :2] / z[:, None]
    # qsvec2rotmat_batched + 3D covariance
    R = _quat_to_rotmat(qvec)
    rotmat = svec[:, None, :] * R
    sigma = jnp.einsum('nij,nkj->nik', rotmat, rotmat)
    # perspective jacobian (per original jacobian())
    l = jnp.linalg.norm(p, axis=-1) + 1e-8
    x_, y_ = p[:, 0], p[:, 1]
    zz = jnp.zeros_like(z)
    J = jnp.stack([
        jnp.stack([1.0 / z, zz, -x_ / (z * z)], axis=-1),
        jnp.stack([zz, 1.0 / z, -y_ / (z * z)], axis=-1),
        jnp.stack([x_ / l, y_ / l, z / l], axis=-1),
    ], axis=-2)
    JW = jnp.einsum('nij,jk->nik', J, W)
    cov = jnp.einsum('nij,njk,nlk->nil', JW, sigma, JW)[:, :2, :2]
    det = cov[:, 0, 0] * cov[:, 1, 1] - cov[:, 0, 1] * cov[:, 1, 0]
    w_gauss = alpha[:, 0] / jnp.sqrt(1.0 + jnp.abs(det))
    # rasterize: per-gaussian scatter-add into framebuffer (tile kernel analogue)
    focal = float(S)
    px = uv * focal + (S / 2.0)
    ix = jnp.clip(jnp.floor(px[:, 0]), 0, S - 1).astype(jnp.int32)
    iy = jnp.clip(jnp.floor(px[:, 1]), 0, S - 1).astype(jnp.int32)
    flat = jax.lax.stop_gradient(iy * S + ix)
    accum_c = jnp.zeros((S * S, 3), jnp.float32).at[flat].add(w_gauss[:, None] * color)
    accum_w = jnp.zeros((S * S,), jnp.float32).at[flat].add(w_gauss)
    T = jnp.exp(-accum_w)
    bg = jnp.zeros((3,), jnp.float32)  # RandomBackground eval mode -> zeros
    out = (accum_c / (accum_w[:, None] + 1e-8)) * (1.0 - T)[:, None] + T[:, None] * bg[None, :]
    return out.reshape(S, S, 3)

def setup_inputs(seed: int = 0):
    key = jax.random.key(seed)
    ks = jax.random.split(key, 6)
    N = 500000
    xy = (jax.random.normal(ks[0], (N, 2)) * 1.5).astype(jnp.float32)
    zc = (jax.random.uniform(ks[1], (N, 1)) * 4.0 + 2.0).astype(jnp.float32)
    mean = jnp.concatenate([xy, zc], axis=-1)
    color = jax.random.uniform(ks[2], (N, 3), dtype=jnp.float32)
    qvec = jax.random.normal(ks[3], (N, 4), dtype=jnp.float32)
    svec = jax.random.uniform(ks[4], (N, 3), dtype=jnp.float32) * 0.05 + 0.01
    alpha = jax.random.uniform(ks[5], (N, 1), dtype=jnp.float32)
    c2w = jnp.concatenate([jnp.eye(3, dtype=jnp.float32), jnp.zeros((3, 1), jnp.float32)], axis=1)
    return {"mean": mean, "color": color, "qvec": qvec, "svec": svec, "alpha": alpha, "c2w": c2w}

def reference(mean, color, qvec, svec, alpha, c2w):
    return _splat_forward(mean, color, qvec, svec, alpha, c2w)

if __name__ == "__main__":
    import jax
    _d = setup_inputs()
    print(jax.jit(kernel)(*tuple(_d.values())))

</pallas_src>

<mosaic_0001>
#map = affine_map<(d0, d1) -> (0, 0, 0, 0)>
#map1 = affine_map<(d0, d1) -> (0, 0, 0)>
#map2 = affine_map<(d0, d1) -> (0)>
#map3 = affine_map<(d0, d1) -> (0, 0)>
module attributes {stable_mosaic.version = 14 : i64} {
  func.func @_sc_scatter(%arg0: i32, %arg1: i32, %arg2: memref<32x4x125x128xi32, #tpu.memory_space<hbm>>, %arg3: memref<32x4x16000xf32, #tpu.memory_space<hbm>>, %arg4: memref<65536xf32, #tpu.memory_space<hbm>>, %arg5: memref<2x1048576xf32, #tpu.memory_space<hbm>>, %arg6: memref<125x128xi32, #tpu.memory_space<vmem>>, %arg7: memref<16000xf32, #tpu.memory_space<vmem>>, %arg8: memref<1048576xf32, #tpu.memory_space<vmem_shared>>) attributes {dimension_semantics = [#tpu.dimension_semantics<core_parallel>, #tpu.dimension_semantics<subcore_parallel>], iteration_bounds = array<i64: 2, 16>, scalar_prefetch = 0 : i64, scratch_operands = 3 : i64, tpu.core_type = #tpu.core_type<sc_vector_subcore>, window_params = [{transform_indices = #map}, {transform_indices = #map1}, {transform_indices = #map2}, {transform_indices = #map3}]} {
    %mul3A = arith.constant 16 : i32
    %mul3A_0 = arith.muli %arg0, %mul3A : i32
    %add3A = arith.addi %mul3A_0, %arg1 : i32
    %mul3A_1 = arith.constant 65536 : i32
    %mul3A_2 = arith.muli %arg1, %mul3A_1 : i32
    "tpu.region"() ({
      %run_scoped3A_34 = tpu.sem_alloc : memref<!tpu.dma_semaphore, #tpu.memory_space<semaphore_mem>>
      %dma_start3A = tpu.memref_slice %arg8[%mul3A_2] : memref<1048576xf32, #tpu.memory_space<vmem_shared>> -> memref<65536xf32, #tpu.memory_space<vmem_shared>>
      tpu.enqueue_dma source(%arg4 : memref<65536xf32, #tpu.memory_space<hbm>>) target(%dma_start3A : memref<65536xf32, #tpu.memory_space<vmem_shared>>) target_semaphore(%run_scoped3A_34 : memref<!tpu.dma_semaphore, #tpu.memory_space<semaphore_mem>>)
      %dma_wait3A = tpu.memref_slice %arg8[%mul3A_2] : memref<1048576xf32, #tpu.memory_space<vmem_shared>> -> memref<65536xf32, #tpu.memory_space<vmem_shared>>
      tpu.wait_dma2 semaphore(%run_scoped3A_34 : memref<!tpu.dma_semaphore, #tpu.memory_space<semaphore_mem>>) src(%arg4 : memref<65536xf32, #tpu.memory_space<hbm>>) dst(%dma_wait3A : memref<65536xf32, #tpu.memory_space<vmem_shared>>)
      tpu.yield
    }) : () -> ()
    %barrier3A = arith.constant 0 : index
    tpu.barrier barrier_id(%barrier3A)
    %run_scoped3A = arith.constant 0 : i32
    "tpu.region"() ({
      %run_scoped3A_34 = tpu.sem_alloc : memref<!tpu.dma_semaphore, #tpu.memory_space<semaphore_mem>>
      %dma_start3A = arith.constant 0 : i32
      %dma_start3A_35 = arith.constant 0 : i32
      %dma_start3A_36 = tpu.memref_slice %arg2[%add3A, %run_scoped3A, %dma_start3A, %dma_start3A_35] : memref<32x4x125x128xi32, #tpu.memory_space<hbm>> -> memref<1x1x125x128xi32, #tpu.memory_space<hbm>>
      %dma_start3A_37 = tpu.memref_squeeze %dma_start3A_36 : memref<1x1x125x128xi32, #tpu.memory_space<hbm>> -> memref<125x128xi32, #tpu.memory_space<hbm>>
      %dma_start3A_38 = arith.constant 0 : i32
      %dma_start3A_39 = arith.constant 0 : i32
      %dma_start3A_40 = tpu.memref_slice %arg2[%add3A, %run_scoped3A, %dma_start3A_38, %dma_start3A_39] : memref<32x4x125x128xi32, #tpu.memory_space<hbm>> -> memref<1x1x125x128xi32, #tpu.memory_space<hbm>>
      %dma_start3A_41 = tpu.memref_squeeze %dma_start3A_40 : memref<1x1x125x128xi32, #tpu.memory_space<hbm>> -> memref<125x128xi32, #tpu.memory_space<hbm>>
      tpu.enqueue_dma source(%dma_start3A_41 : memref<125x128xi32, #tpu.memory_space<hbm>>) target(%arg6 : memref<125x128xi32, #tpu.memory_space<vmem>>) target_semaphore(%run_scoped3A_34 : memref<!tpu.dma_semaphore, #tpu.memory_space<semaphore_mem>>)
      %dma_wait3A = arith.constant 0 : i32
      %dma_wait3A_42 = arith.constant 0 : i32
      %dma_wait3A_43 = tpu.memref_slice %arg2[%add3A, %run_scoped3A, %dma_wait3A, %dma_wait3A_42] : memref<32x4x125x128xi32, #tpu.memory_space<hbm>> -> memref<1x1x125x128xi32, #tpu.memory_space<hbm>>
      %dma_wait3A_44 = tpu.memref_squeeze %dma_wait3A_43 : memref<1x1x125x128xi32, #tpu.memory_space<hbm>> -> memref<125x128xi32, #tpu.memory_space<hbm>>
      %dma_wait3A_45 = arith.constant 0 : i32
      %dma_wait3A_46 = arith.constant 0 : i32
      %dma_wait3A_47 = tpu.memref_slice %arg2[%add3A, %run_scoped3A, %dma_wait3A_45, %dma_wait3A_46] : memref<32x4x125x128xi32, #tpu.memory_space<hbm>> -> memref<1x1x125x128xi32, #tpu.memory_space<hbm>>
      %dma_wait3A_48 = tpu.memref_squeeze %dma_wait3A_47 : memref<1x1x125x128xi32, #tpu.memory_space<hbm>> -> memref<125x128xi32, #tpu.memory_space<hbm>>
      tpu.wait_dma2 semaphore(%run_scoped3A_34 : memref<!tpu.dma_semaphore, #tpu.memory_space<semaphore_mem>>) src(%dma_wait3A_48 : memref<125x128xi32, #tpu.memory_space<hbm>>) dst(%arg6 : memref<125x128xi32, #tpu.memory_space<vmem>>)
      tpu.yield
    }) : () -> ()
    %run_scoped3A_3 = arith.constant 0 : i32
    "tpu.region"() ({
      %run_scoped3A_34 = tpu.sem_alloc : memref<!tpu.dma_semaphore, #tpu.memory_space<semaphore_mem>>
      %dma_start3A = arith.constant 0 : i32
      %dma_start3A_35 = tpu.memref_slice %arg3[%add3A, %run_scoped3A_3, %dma_start3A] : memref<32x4x16000xf32, #tpu.memory_space<hbm>> -> memref<1x1x16000xf32, #tpu.memory_space<hbm>>
      %dma_start3A_36 = tpu.memref_squeeze %dma_start3A_35 : memref<1x1x16000xf32, #tpu.memory_space<hbm>> -> memref<16000xf32, #tpu.memory_space<hbm>>
      %dma_start3A_37 = arith.constant 0 : i32
      %dma_start3A_38 = tpu.memref_slice %arg3[%add3A, %run_scoped3A_3, %dma_start3A_37] : memref<32x4x16000xf32, #tpu.memory_space<hbm>> -> memref<1x1x16000xf32, #tpu.memory_space<hbm>>
      %dma_start3A_39 = tpu.memref_squeeze %dma_start3A_38 : memref<1x1x16000xf32, #tpu.memory_space<hbm>> -> memref<16000xf32, #tpu.memory_space<hbm>>
      tpu.enqueue_dma source(%dma_start3A_39 : memref<16000xf32, #tpu.memory_space<hbm>>) target(%arg7 : memref<16000xf32, #tpu.memory_space<vmem>>) target_semaphore(%run_scoped3A_34 : memref<!tpu.dma_semaphore, #tpu.memory_space<semaphore_mem>>)
      %dma_wait3A = arith.constant 0 : i32
      %dma_wait3A_40 = tpu.memref_slice %arg3[%add3A, %run_scoped3A_3, %dma_wait3A] : memref<32x4x16000xf32, #tpu.memory_space<hbm>> -> memref<1x1x16000xf32, #tpu.memory_space<hbm>>
      %dma_wait3A_41 = tpu.memref_squeeze %dma_wait3A_40 : memref<1x1x16000xf32, #tpu.memory_space<hbm>> -> memref<16000xf32, #tpu.memory_space<hbm>>
      %dma_wait3A_42 = arith.constant 0 : i32
      %dma_wait3A_43 = tpu.memref_slice %arg3[%add3A, %run_scoped3A_3, %dma_wait3A_42] : memref<32x4x16000xf32, #tpu.memory_space<hbm>> -> memref<1x1x16000xf32, #tpu.memory_space<hbm>>
      %dma_wait3A_44 = tpu.memref_squeeze %dma_wait3A_43 : memref<1x1x16000xf32, #tpu.memory_space<hbm>> -> memref<16000xf32, #tpu.memory_space<hbm>>
      tpu.wait_dma2 semaphore(%run_scoped3A_34 : memref<!tpu.dma_semaphore, #tpu.memory_space<semaphore_mem>>) src(%dma_wait3A_44 : memref<16000xf32, #tpu.memory_space<hbm>>) dst(%arg7 : memref<16000xf32, #tpu.memory_space<vmem>>)
      tpu.yield
    }) : () -> ()
    %scan3A = arith.constant 0 : i32
    %scan3A_4 = arith.constant 0 : i32
    %scan3A_5 = arith.constant 125 : i32
    %scan3A_6 = arith.addi %scan3A_4, %scan3A_5 : i32
    %scan3A_7 = arith.constant 1 : i32
    scf.for %scan3A_34 = %scan3A_4 to %scan3A_6 step %scan3A_7  : i32 {
      %mul3A_35 = arith.constant 128 : i32
      %mul3A_36 = arith.muli %scan3A_34, %mul3A_35 : i32
      "tpu.region"() ({
        %run_scoped3A_37 = tpu.sem_alloc : memref<!tpu.dma_semaphore, #tpu.memory_space<semaphore_mem>>
        %dma_start3A = tpu.memref_slice %arg7[%mul3A_36] : memref<16000xf32, #tpu.memory_space<vmem>> -> memref<128xf32, #tpu.memory_space<vmem>>
        %dma_start3A_38 = arith.constant 0 : i32
        %dma_start3A_39 = tpu.memref_slice %arg6[%scan3A_34, %dma_start3A_38] : memref<125x128xi32, #tpu.memory_space<vmem>> -> memref<1x128xi32, #tpu.memory_space<vmem>>
        %dma_start3A_40 = tpu.memref_squeeze %dma_start3A_39 : memref<1x128xi32, #tpu.memory_space<vmem>> -> memref<128xi32, #tpu.memory_space<vmem>>
        %dma_start3A_41 = arith.constant 0 : i32
        %dma_start3A_42 = tpu.memref_slice %arg8[%dma_start3A_41] : memref<1048576xf32, #tpu.memory_space<vmem_shared>> -> memref<1048576xf32, #tpu.memory_space<vmem_shared>>
        tpu.enqueue_indirect_dma source(%dma_start3A : memref<128xf32, #tpu.memory_space<vmem>>) target(%dma_start3A_42 : memref<1048576xf32, #tpu.memory_space<vmem_shared>>) offsets(%dma_start3A_40 : memref<128xi32, #tpu.memory_space<vmem>>) semaphore(%run_scoped3A_37 : memref<!tpu.dma_semaphore, #tpu.memory_space<semaphore_mem>>) {add = true}
        %dma_wait3A = tpu.memref_slice %arg7[%mul3A_36] : memref<16000xf32, #tpu.memory_space<vmem>> -> memref<128xf32, #tpu.memory_space<vmem>>
        %dma_wait3A_43 = arith.constant 0 : i32
        %dma_wait3A_44 = tpu.memref_slice %arg6[%scan3A_34, %dma_wait3A_43] : memref<125x128xi32, #tpu.memory_space<vmem>> -> memref<1x128xi32, #tpu.memory_space<vmem>>
        %dma_wait3A_45 = tpu.memref_squeeze %dma_wait3A_44 : memref<1x128xi32, #tpu.memory_space<vmem>> -> memref<128xi32, #tpu.memory_space<vmem>>
        %dma_wait3A_46 = arith.constant 0 : i32
        %dma_wait3A_47 = tpu.memref_slice %arg8[%dma_wait3A_46] : memref<1048576xf32, #tpu.memory_space<vmem_shared>> -> memref<1048576xf32, #tpu.memory_space<vmem_shared>>
        tpu.wait_indirect_dma semaphore(%run_scoped3A_37 : memref<!tpu.dma_semaphore, #tpu.memory_space<semaphore_mem>>) src(%dma_wait3A : memref<128xf32, #tpu.memory_space<vmem>>) dst(%dma_wait3A_47 : memref<1048576xf32, #tpu.memory_space<vmem_shared>>)
        tpu.yield
      }) : () -> ()
    }
    %scan3A_8 = arith.constant 125 : i32
    %run_scoped3A_9 = arith.constant 1 : i32
    "tpu.region"() ({
      %run_scoped3A_34 = tpu.sem_alloc : memref<!tpu.dma_semaphore, #tpu.memory_space<semaphore_mem>>
      %dma_start3A = arith.constant 0 : i32
      %dma_start3A_35 = arith.constant 0 : i32
      %dma_start3A_36 = tpu.memref_slice %arg2[%add3A, %run_scoped3A_9, %dma_start3A, %dma_start3A_35] : memref<32x4x125x128xi32, #tpu.memory_space<hbm>> -> memref<1x1x125x128xi32, #tpu.memory_space<hbm>>
      %dma_start3A_37 = tpu.memref_squeeze %dma_start3A_36 : memref<1x1x125x128xi32, #tpu.memory_space<hbm>> -> memref<125x128xi32, #tpu.memory_space<hbm>>
      %dma_start3A_38 = arith.constant 0 : i32
      %dma_start3A_39 = arith.constant 0 : i32
      %dma_start3A_40 = tpu.memref_slice %arg2[%add3A, %run_scoped3A_9, %dma_start3A_38, %dma_start3A_39] : memref<32x4x125x128xi32, #tpu.memory_space<hbm>> -> memref<1x1x125x128xi32, #tpu.memory_space<hbm>>
      %dma_start3A_41 = tpu.memref_squeeze %dma_start3A_40 : memref<1x1x125x128xi32, #tpu.memory_space<hbm>> -> memref<125x128xi32, #tpu.memory_space<hbm>>
      tpu.enqueue_dma source(%dma_start3A_41 : memref<125x128xi32, #tpu.memory_space<hbm>>) target(%arg6 : memref<125x128xi32, #tpu.memory_space<vmem>>) target_semaphore(%run_scoped3A_34 : memref<!tpu.dma_semaphore, #tpu.memory_space<semaphore_mem>>)
      %dma_wait3A = arith.constant 0 : i32
      %dma_wait3A_42 = arith.constant 0 : i32
      %dma_wait3A_43 = tpu.memref_slice %arg2[%add3A, %run_scoped3A_9, %dma_wait3A, %dma_wait3A_42] : memref<32x4x125x128xi32, #tpu.memory_space<hbm>> -> memref<1x1x125x128xi32, #tpu.memory_space<hbm>>
      %dma_wait3A_44 = tpu.memref_squeeze %dma_wait3A_43 : memref<1x1x125x128xi32, #tpu.memory_space<hbm>> -> memref<125x128xi32, #tpu.memory_space<hbm>>
      %dma_wait3A_45 = arith.constant 0 : i32
      %dma_wait3A_46 = arith.constant 0 : i32
      %dma_wait3A_47 = tpu.memref_slice %arg2[%add3A, %run_scoped3A_9, %dma_wait3A_45, %dma_wait3A_46] : memref<32x4x125x128xi32, #tpu.memory_space<hbm>> -> memref<1x1x125x128xi32, #tpu.memory_space<hbm>>
      %dma_wait3A_48 = tpu.memref_squeeze %dma_wait3A_47 : memref<1x1x125x128xi32, #tpu.memory_space<hbm>> -> memref<125x128xi32, #tpu.memory_space<hbm>>
      tpu.wait_dma2 semaphore(%run_scoped3A_34 : memref<!tpu.dma_semaphore, #tpu.memory_space<semaphore_mem>>) src(%dma_wait3A_48 : memref<125x128xi32, #tpu.memory_space<hbm>>) dst(%arg6 : memref<125x128xi32, #tpu.memory_space<vmem>>)
      tpu.yield
    }) : () -> ()
    %run_scoped3A_10 = arith.constant 1 : i32
    "tpu.region"() ({
      %run_scoped3A_34 = tpu.sem_alloc : memref<!tpu.dma_semaphore, #tpu.memory_space<semaphore_mem>>
      %dma_start3A = arith.constant 0 : i32
      %dma_start3A_35 = tpu.memref_slice %arg3[%add3A, %run_scoped3A_10, %dma_start3A] : memref<32x4x16000xf32, #tpu.memory_space<hbm>> -> memref<1x1x16000xf32, #tpu.memory_space<hbm>>
      %dma_start3A_36 = tpu.memref_squeeze %dma_start3A_35 : memref<1x1x16000xf32, #tpu.memory_space<hbm>> -> memref<16000xf32, #tpu.memory_space<hbm>>
      %dma_start3A_37 = arith.constant 0 : i32
      %dma_start3A_38 = tpu.memref_slice %arg3[%add3A, %run_scoped3A_10, %dma_start3A_37] : memref<32x4x16000xf32, #tpu.memory_space<hbm>> -> memref<1x1x16000xf32, #tpu.memory_space<hbm>>
      %dma_start3A_39 = tpu.memref_squeeze %dma_start3A_38 : memref<1x1x16000xf32, #tpu.memory_space<hbm>> -> memref<16000xf32, #tpu.memory_space<hbm>>
      tpu.enqueue_dma source(%dma_start3A_39 : memref<16000xf32, #tpu.memory_space<hbm>>) target(%arg7 : memref<16000xf32, #tpu.memory_space<vmem>>) target_semaphore(%run_scoped3A_34 : memref<!tpu.dma_semaphore, #tpu.memory_space<semaphore_mem>>)
      %dma_wait3A = arith.constant 0 : i32
      %dma_wait3A_40 = tpu.memref_slice %arg3[%add3A, %run_scoped3A_10, %dma_wait3A] : memref<32x4x16000xf32, #tpu.memory_space<hbm>> -> memref<1x1x16000xf32, #tpu.memory_space<hbm>>
      %dma_wait3A_41 = tpu.memref_squeeze %dma_wait3A_40 : memref<1x1x16000xf32, #tpu.memory_space<hbm>> -> memref<16000xf32, #tpu.memory_space<hbm>>
      %dma_wait3A_42 = arith.constant 0 : i32
      %dma_wait3A_43 = tpu.memref_slice %arg3[%add3A, %run_scoped3A_10, %dma_wait3A_42] : memref<32x4x16000xf32, #tpu.memory_space<hbm>> -> memref<1x1x16000xf32, #tpu.memory_space<hbm>>
      %dma_wait3A_44 = tpu.memref_squeeze %dma_wait3A_43 : memref<1x1x16000xf32, #tpu.memory_space<hbm>> -> memref<16000xf32, #tpu.memory_space<hbm>>
      tpu.wait_dma2 semaphore(%run_scoped3A_34 : memref<!tpu.dma_semaphore, #tpu.memory_space<semaphore_mem>>) src(%dma_wait3A_44 : memref<16000xf32, #tpu.memory_space<hbm>>) dst(%arg7 : memref<16000xf32, #tpu.memory_space<vmem>>)
      tpu.yield
    }) : () -> ()
    %scan3A_11 = arith.constant 0 : i32
    %scan3A_12 = arith.constant 0 : i32
    %scan3A_13 = arith.constant 125 : i32
    %scan3A_14 = arith.addi %scan3A_12, %scan3A_13 : i32
    %scan3A_15 = arith.constant 1 : i32
    scf.for %scan3A_34 = %scan3A_12 to %scan3A_14 step %scan3A_15  : i32 {
      %mul3A_35 = arith.constant 128 : i32
      %mul3A_36 = arith.muli %scan3A_34, %mul3A_35 : i32
      "tpu.region"() ({
        %run_scoped3A_37 = tpu.sem_alloc : memref<!tpu.dma_semaphore, #tpu.memory_space<semaphore_mem>>
        %dma_start3A = tpu.memref_slice %arg7[%mul3A_36] : memref<16000xf32, #tpu.memory_space<vmem>> -> memref<128xf32, #tpu.memory_space<vmem>>
        %dma_start3A_38 = arith.constant 0 : i32
        %dma_start3A_39 = tpu.memref_slice %arg6[%scan3A_34, %dma_start3A_38] : memref<125x128xi32, #tpu.memory_space<vmem>> -> memref<1x128xi32, #tpu.memory_space<vmem>>
        %dma_start3A_40 = tpu.memref_squeeze %dma_start3A_39 : memref<1x128xi32, #tpu.memory_space<vmem>> -> memref<128xi32, #tpu.memory_space<vmem>>
        %dma_start3A_41 = arith.constant 0 : i32
        %dma_start3A_42 = tpu.memref_slice %arg8[%dma_start3A_41] : memref<1048576xf32, #tpu.memory_space<vmem_shared>> -> memref<1048576xf32, #tpu.memory_space<vmem_shared>>
        tpu.enqueue_indirect_dma source(%dma_start3A : memref<128xf32, #tpu.memory_space<vmem>>) target(%dma_start3A_42 : memref<1048576xf32, #tpu.memory_space<vmem_shared>>) offsets(%dma_start3A_40 : memref<128xi32, #tpu.memory_space<vmem>>) semaphore(%run_scoped3A_37 : memref<!tpu.dma_semaphore, #tpu.memory_space<semaphore_mem>>) {add = true}
        %dma_wait3A = tpu.memref_slice %arg7[%mul3A_36] : memref<16000xf32, #tpu.memory_space<vmem>> -> memref<128xf32, #tpu.memory_space<vmem>>
        %dma_wait3A_43 = arith.constant 0 : i32
        %dma_wait3A_44 = tpu.memref_slice %arg6[%scan3A_34, %dma_wait3A_43] : memref<125x128xi32, #tpu.memory_space<vmem>> -> memref<1x128xi32, #tpu.memory_space<vmem>>
        %dma_wait3A_45 = tpu.memref_squeeze %dma_wait3A_44 : memref<1x128xi32, #tpu.memory_space<vmem>> -> memref<128xi32, #tpu.memory_space<vmem>>
        %dma_wait3A_46 = arith.constant 0 : i32
        %dma_wait3A_47 = tpu.memref_slice %arg8[%dma_wait3A_46] : memref<1048576xf32, #tpu.memory_space<vmem_shared>> -> memref<1048576xf32, #tpu.memory_space<vmem_shared>>
        tpu.wait_indirect_dma semaphore(%run_scoped3A_37 : memref<!tpu.dma_semaphore, #tpu.memory_space<semaphore_mem>>) src(%dma_wait3A : memref<128xf32, #tpu.memory_space<vmem>>) dst(%dma_wait3A_47 : memref<1048576xf32, #tpu.memory_space<vmem_shared>>)
        tpu.yield
      }) : () -> ()
    }
    %scan3A_16 = arith.constant 125 : i32
    %run_scoped3A_17 = arith.constant 2 : i32
    "tpu.region"() ({
      %run_scoped3A_34 = tpu.sem_alloc : memref<!tpu.dma_semaphore, #tpu.memory_space<semaphore_mem>>
      %dma_start3A = arith.constant 0 : i32
      %dma_start3A_35 = arith.constant 0 : i32
      %dma_start3A_36 = tpu.memref_slice %arg2[%add3A, %run_scoped3A_17, %dma_start3A, %dma_start3A_35] : memref<32x4x125x128xi32, #tpu.memory_space<hbm>> -> memref<1x1x125x128xi32, #tpu.memory_space<hbm>>
      %dma_start3A_37 = tpu.memref_squeeze %dma_start3A_36 : memref<1x1x125x128xi32, #tpu.memory_space<hbm>> -> memref<125x128xi32, #tpu.memory_space<hbm>>
      %dma_start3A_38 = arith.constant 0 : i32
      %dma_start3A_39 = arith.constant 0 : i32
      %dma_start3A_40 = tpu.memref_slice %arg2[%add3A, %run_scoped3A_17, %dma_start3A_38, %dma_start3A_39] : memref<32x4x125x128xi32, #tpu.memory_space<hbm>> -> memref<1x1x125x128xi32, #tpu.memory_space<hbm>>
      %dma_start3A_41 = tpu.memref_squeeze %dma_start3A_40 : memref<1x1x125x128xi32, #tpu.memory_space<hbm>> -> memref<125x128xi32, #tpu.memory_space<hbm>>
      tpu.enqueue_dma source(%dma_start3A_41 : memref<125x128xi32, #tpu.memory_space<hbm>>) target(%arg6 : memref<125x128xi32, #tpu.memory_space<vmem>>) target_semaphore(%run_scoped3A_34 : memref<!tpu.dma_semaphore, #tpu.memory_space<semaphore_mem>>)
      %dma_wait3A = arith.constant 0 : i32
      %dma_wait3A_42 = arith.constant 0 : i32
      %dma_wait3A_43 = tpu.memref_slice %arg2[%add3A, %run_scoped3A_17, %dma_wait3A, %dma_wait3A_42] : memref<32x4x125x128xi32, #tpu.memory_space<hbm>> -> memref<1x1x125x128xi32, #tpu.memory_space<hbm>>
      %dma_wait3A_44 = tpu.memref_squeeze %dma_wait3A_43 : memref<1x1x125x128xi32, #tpu.memory_space<hbm>> -> memref<125x128xi32, #tpu.memory_space<hbm>>
      %dma_wait3A_45 = arith.constant 0 : i32
      %dma_wait3A_46 = arith.constant 0 : i32
      %dma_wait3A_47 = tpu.memref_slice %arg2[%add3A, %run_scoped3A_17, %dma_wait3A_45, %dma_wait3A_46] : memref<32x4x125x128xi32, #tpu.memory_space<hbm>> -> memref<1x1x125x128xi32, #tpu.memory_space<hbm>>
      %dma_wait3A_48 = tpu.memref_squeeze %dma_wait3A_47 : memref<1x1x125x128xi32, #tpu.memory_space<hbm>> -> memref<125x128xi32, #tpu.memory_space<hbm>>
      tpu.wait_dma2 semaphore(%run_scoped3A_34 : memref<!tpu.dma_semaphore, #tpu.memory_space<semaphore_mem>>) src(%dma_wait3A_48 : memref<125x128xi32, #tpu.memory_space<hbm>>) dst(%arg6 : memref<125x128xi32, #tpu.memory_space<vmem>>)
      tpu.yield
    }) : () -> ()
    %run_scoped3A_18 = arith.constant 2 : i32
    "tpu.region"() ({
      %run_scoped3A_34 = tpu.sem_alloc : memref<!tpu.dma_semaphore, #tpu.memory_space<semaphore_mem>>
      %dma_start3A = arith.constant 0 : i32
      %dma_start3A_35 = tpu.memref_slice %arg3[%add3A, %run_scoped3A_18, %dma_start3A] : memref<32x4x16000xf32, #tpu.memory_space<hbm>> -> memref<1x1x16000xf32, #tpu.memory_space<hbm>>
      %dma_start3A_36 = tpu.memref_squeeze %dma_start3A_35 : memref<1x1x16000xf32, #tpu.memory_space<hbm>> -> memref<16000xf32, #tpu.memory_space<hbm>>
      %dma_start3A_37 = arith.constant 0 : i32
      %dma_start3A_38 = tpu.memref_slice %arg3[%add3A, %run_scoped3A_18, %dma_start3A_37] : memref<32x4x16000xf32, #tpu.memory_space<hbm>> -> memref<1x1x16000xf32, #tpu.memory_space<hbm>>
      %dma_start3A_39 = tpu.memref_squeeze %dma_start3A_38 : memref<1x1x16000xf32, #tpu.memory_space<hbm>> -> memref<16000xf32, #tpu.memory_space<hbm>>
      tpu.enqueue_dma source(%dma_start3A_39 : memref<16000xf32, #tpu.memory_space<hbm>>) target(%arg7 : memref<16000xf32, #tpu.memory_space<vmem>>) target_semaphore(%run_scoped3A_34 : memref<!tpu.dma_semaphore, #tpu.memory_space<semaphore_mem>>)
      %dma_wait3A = arith.constant 0 : i32
      %dma_wait3A_40 = tpu.memref_slice %arg3[%add3A, %run_scoped3A_18, %dma_wait3A] : memref<32x4x16000xf32, #tpu.memory_space<hbm>> -> memref<1x1x16000xf32, #tpu.memory_space<hbm>>
      %dma_wait3A_41 = tpu.memref_squeeze %dma_wait3A_40 : memref<1x1x16000xf32, #tpu.memory_space<hbm>> -> memref<16000xf32, #tpu.memory_space<hbm>>
      %dma_wait3A_42 = arith.constant 0 : i32
      %dma_wait3A_43 = tpu.memref_slice %arg3[%add3A, %run_scoped3A_18, %dma_wait3A_42] : memref<32x4x16000xf32, #tpu.memory_space<hbm>> -> memref<1x1x16000xf32, #tpu.memory_space<hbm>>
      %dma_wait3A_44 = tpu.memref_squeeze %dma_wait3A_43 : memref<1x1x16000xf32, #tpu.memory_space<hbm>> -> memref<16000xf32, #tpu.memory_space<hbm>>
      tpu.wait_dma2 semaphore(%run_scoped3A_34 : memref<!tpu.dma_semaphore, #tpu.memory_space<semaphore_mem>>) src(%dma_wait3A_44 : memref<16000xf32, #tpu.memory_space<hbm>>) dst(%arg7 : memref<16000xf32, #tpu.memory_space<vmem>>)
      tpu.yield
    }) : () -> ()
    %scan3A_19 = arith.constant 0 : i32
    %scan3A_20 = arith.constant 0 : i32
    %scan3A_21 = arith.constant 125 : i32
    %scan3A_22 = arith.addi %scan3A_20, %scan3A_21 : i32
    %scan3A_23 = arith.constant 1 : i32
    scf.for %scan3A_34 = %scan3A_20 to %scan3A_22 step %scan3A_23  : i32 {
      %mul3A_35 = arith.constant 128 : i32
      %mul3A_36 = arith.muli %scan3A_34, %mul3A_35 : i32
      "tpu.region"() ({
        %run_scoped3A_37 = tpu.sem_alloc : memref<!tpu.dma_semaphore, #tpu.memory_space<semaphore_mem>>
        %dma_start3A = tpu.memref_slice %arg7[%mul3A_36] : memref<16000xf32, #tpu.memory_space<vmem>> -> memref<128xf32, #tpu.memory_space<vmem>>
        %dma_start3A_38 = arith.constant 0 : i32
        %dma_start3A_39 = tpu.memref_slice %arg6[%scan3A_34, %dma_start3A_38] : memref<125x128xi32, #tpu.memory_space<vmem>> -> memref<1x128xi32, #tpu.memory_space<vmem>>
        %dma_start3A_40 = tpu.memref_squeeze %dma_start3A_39 : memref<1x128xi32, #tpu.memory_space<vmem>> -> memref<128xi32, #tpu.memory_space<vmem>>
        %dma_start3A_41 = arith.constant 0 : i32
        %dma_start3A_42 = tpu.memref_slice %arg8[%dma_start3A_41] : memref<1048576xf32, #tpu.memory_space<vmem_shared>> -> memref<1048576xf32, #tpu.memory_space<vmem_shared>>
        tpu.enqueue_indirect_dma source(%dma_start3A : memref<128xf32, #tpu.memory_space<vmem>>) target(%dma_start3A_42 : memref<1048576xf32, #tpu.memory_space<vmem_shared>>) offsets(%dma_start3A_40 : memref<128xi32, #tpu.memory_space<vmem>>) semaphore(%run_scoped3A_37 : memref<!tpu.dma_semaphore, #tpu.memory_space<semaphore_mem>>) {add = true}
        %dma_wait3A = tpu.memref_slice %arg7[%mul3A_36] : memref<16000xf32, #tpu.memory_space<vmem>> -> memref<128xf32, #tpu.memory_space<vmem>>
        %dma_wait3A_43 = arith.constant 0 : i32
        %dma_wait3A_44 = tpu.memref_slice %arg6[%scan3A_34, %dma_wait3A_43] : memref<125x128xi32, #tpu.memory_space<vmem>> -> memref<1x128xi32, #tpu.memory_space<vmem>>
        %dma_wait3A_45 = tpu.memref_squeeze %dma_wait3A_44 : memref<1x128xi32, #tpu.memory_space<vmem>> -> memref<128xi32, #tpu.memory_space<vmem>>
        %dma_wait3A_46 = arith.constant 0 : i32
        %dma_wait3A_47 = tpu.memref_slice %arg8[%dma_wait3A_46] : memref<1048576xf32, #tpu.memory_space<vmem_shared>> -> memref<1048576xf32, #tpu.memory_space<vmem_shared>>
        tpu.wait_indirect_dma semaphore(%run_scoped3A_37 : memref<!tpu.dma_semaphore, #tpu.memory_space<semaphore_mem>>) src(%dma_wait3A : memref<128xf32, #tpu.memory_space<vmem>>) dst(%dma_wait3A_47 : memref<1048576xf32, #tpu.memory_space<vmem_shared>>)
        tpu.yield
      }) : () -> ()
    }
    %scan3A_24 = arith.constant 125 : i32
    %run_scoped3A_25 = arith.constant 3 : i32
    "tpu.region"() ({
      %run_scoped3A_34 = tpu.sem_alloc : memref<!tpu.dma_semaphore, #tpu.memory_space<semaphore_mem>>
      %dma_start3A = arith.constant 0 : i32
      %dma_start3A_35 = arith.constant 0 : i32
      %dma_start3A_36 = tpu.memref_slice %arg2[%add3A, %run_scoped3A_25, %dma_start3A, %dma_start3A_35] : memref<32x4x125x128xi32, #tpu.memory_space<hbm>> -> memref<1x1x125x128xi32, #tpu.memory_space<hbm>>
      %dma_start3A_37 = tpu.memref_squeeze %dma_start3A_36 : memref<1x1x125x128xi32, #tpu.memory_space<hbm>> -> memref<125x128xi32, #tpu.memory_space<hbm>>
      %dma_start3A_38 = arith.constant 0 : i32
      %dma_start3A_39 = arith.constant 0 : i32
      %dma_start3A_40 = tpu.memref_slice %arg2[%add3A, %run_scoped3A_25, %dma_start3A_38, %dma_start3A_39] : memref<32x4x125x128xi32, #tpu.memory_space<hbm>> -> memref<1x1x125x128xi32, #tpu.memory_space<hbm>>
      %dma_start3A_41 = tpu.memref_squeeze %dma_start3A_40 : memref<1x1x125x128xi32, #tpu.memory_space<hbm>> -> memref<125x128xi32, #tpu.memory_space<hbm>>
      tpu.enqueue_dma source(%dma_start3A_41 : memref<125x128xi32, #tpu.memory_space<hbm>>) target(%arg6 : memref<125x128xi32, #tpu.memory_space<vmem>>) target_semaphore(%run_scoped3A_34 : memref<!tpu.dma_semaphore, #tpu.memory_space<semaphore_mem>>)
      %dma_wait3A = arith.constant 0 : i32
      %dma_wait3A_42 = arith.constant 0 : i32
      %dma_wait3A_43 = tpu.memref_slice %arg2[%add3A, %run_scoped3A_25, %dma_wait3A, %dma_wait3A_42] : memref<32x4x125x128xi32, #tpu.memory_space<hbm>> -> memref<1x1x125x128xi32, #tpu.memory_space<hbm>>
      %dma_wait3A_44 = tpu.memref_squeeze %dma_wait3A_43 : memref<1x1x125x128xi32, #tpu.memory_space<hbm>> -> memref<125x128xi32, #tpu.memory_space<hbm>>
      %dma_wait3A_45 = arith.constant 0 : i32
      %dma_wait3A_46 = arith.constant 0 : i32
      %dma_wait3A_47 = tpu.memref_slice %arg2[%add3A, %run_scoped3A_25, %dma_wait3A_45, %dma_wait3A_46] : memref<32x4x125x128xi32, #tpu.memory_space<hbm>> -> memref<1x1x125x128xi32, #tpu.memory_space<hbm>>
      %dma_wait3A_48 = tpu.memref_squeeze %dma_wait3A_47 : memref<1x1x125x128xi32, #tpu.memory_space<hbm>> -> memref<125x128xi32, #tpu.memory_space<hbm>>
      tpu.wait_dma2 semaphore(%run_scoped3A_34 : memref<!tpu.dma_semaphore, #tpu.memory_space<semaphore_mem>>) src(%dma_wait3A_48 : memref<125x128xi32, #tpu.memory_space<hbm>>) dst(%arg6 : memref<125x128xi32, #tpu.memory_space<vmem>>)
      tpu.yield
    }) : () -> ()
    %run_scoped3A_26 = arith.constant 3 : i32
    "tpu.region"() ({
      %run_scoped3A_34 = tpu.sem_alloc : memref<!tpu.dma_semaphore, #tpu.memory_space<semaphore_mem>>
      %dma_start3A = arith.constant 0 : i32
      %dma_start3A_35 = tpu.memref_slice %arg3[%add3A, %run_scoped3A_26, %dma_start3A] : memref<32x4x16000xf32, #tpu.memory_space<hbm>> -> memref<1x1x16000xf32, #tpu.memory_space<hbm>>
      %dma_start3A_36 = tpu.memref_squeeze %dma_start3A_35 : memref<1x1x16000xf32, #tpu.memory_space<hbm>> -> memref<16000xf32, #tpu.memory_space<hbm>>
      %dma_start3A_37 = arith.constant 0 : i32
      %dma_start3A_38 = tpu.memref_slice %arg3[%add3A, %run_scoped3A_26, %dma_start3A_37] : memref<32x4x16000xf32, #tpu.memory_space<hbm>> -> memref<1x1x16000xf32, #tpu.memory_space<hbm>>
      %dma_start3A_39 = tpu.memref_squeeze %dma_start3A_38 : memref<1x1x16000xf32, #tpu.memory_space<hbm>> -> memref<16000xf32, #tpu.memory_space<hbm>>
      tpu.enqueue_dma source(%dma_start3A_39 : memref<16000xf32, #tpu.memory_space<hbm>>) target(%arg7 : memref<16000xf32, #tpu.memory_space<vmem>>) target_semaphore(%run_scoped3A_34 : memref<!tpu.dma_semaphore, #tpu.memory_space<semaphore_mem>>)
      %dma_wait3A = arith.constant 0 : i32
      %dma_wait3A_40 = tpu.memref_slice %arg3[%add3A, %run_scoped3A_26, %dma_wait3A] : memref<32x4x16000xf32, #tpu.memory_space<hbm>> -> memref<1x1x16000xf32, #tpu.memory_space<hbm>>
      %dma_wait3A_41 = tpu.memref_squeeze %dma_wait3A_40 : memref<1x1x16000xf32, #tpu.memory_space<hbm>> -> memref<16000xf32, #tpu.memory_space<hbm>>
      %dma_wait3A_42 = arith.constant 0 : i32
      %dma_wait3A_43 = tpu.memref_slice %arg3[%add3A, %run_scoped3A_26, %dma_wait3A_42] : memref<32x4x16000xf32, #tpu.memory_space<hbm>> -> memref<1x1x16000xf32, #tpu.memory_space<hbm>>
      %dma_wait3A_44 = tpu.memref_squeeze %dma_wait3A_43 : memref<1x1x16000xf32, #tpu.memory_space<hbm>> -> memref<16000xf32, #tpu.memory_space<hbm>>
      tpu.wait_dma2 semaphore(%run_scoped3A_34 : memref<!tpu.dma_semaphore, #tpu.memory_space<semaphore_mem>>) src(%dma_wait3A_44 : memref<16000xf32, #tpu.memory_space<hbm>>) dst(%arg7 : memref<16000xf32, #tpu.memory_space<vmem>>)
      tpu.yield
    }) : () -> ()
    %scan3A_27 = arith.constant 0 : i32
    %scan3A_28 = arith.constant 0 : i32
    %scan3A_29 = arith.constant 125 : i32
    %scan3A_30 = arith.addi %scan3A_28, %scan3A_29 : i32
    %scan3A_31 = arith.constant 1 : i32
    scf.for %scan3A_34 = %scan3A_28 to %scan3A_30 step %scan3A_31  : i32 {
      %mul3A_35 = arith.constant 128 : i32
      %mul3A_36 = arith.muli %scan3A_34, %mul3A_35 : i32
      "tpu.region"() ({
        %run_scoped3A_37 = tpu.sem_alloc : memref<!tpu.dma_semaphore, #tpu.memory_space<semaphore_mem>>
        %dma_start3A = tpu.memref_slice %arg7[%mul3A_36] : memref<16000xf32, #tpu.memory_space<vmem>> -> memref<128xf32, #tpu.memory_space<vmem>>
        %dma_start3A_38 = arith.constant 0 : i32
        %dma_start3A_39 = tpu.memref_slice %arg6[%scan3A_34, %dma_start3A_38] : memref<125x128xi32, #tpu.memory_space<vmem>> -> memref<1x128xi32, #tpu.memory_space<vmem>>
        %dma_start3A_40 = tpu.memref_squeeze %dma_start3A_39 : memref<1x128xi32, #tpu.memory_space<vmem>> -> memref<128xi32, #tpu.memory_space<vmem>>
        %dma_start3A_41 = arith.constant 0 : i32
        %dma_start3A_42 = tpu.memref_slice %arg8[%dma_start3A_41] : memref<1048576xf32, #tpu.memory_space<vmem_shared>> -> memref<1048576xf32, #tpu.memory_space<vmem_shared>>
        tpu.enqueue_indirect_dma source(%dma_start3A : memref<128xf32, #tpu.memory_space<vmem>>) target(%dma_start3A_42 : memref<1048576xf32, #tpu.memory_space<vmem_shared>>) offsets(%dma_start3A_40 : memref<128xi32, #tpu.memory_space<vmem>>) semaphore(%run_scoped3A_37 : memref<!tpu.dma_semaphore, #tpu.memory_space<semaphore_mem>>) {add = true}
        %dma_wait3A = tpu.memref_slice %arg7[%mul3A_36] : memref<16000xf32, #tpu.memory_space<vmem>> -> memref<128xf32, #tpu.memory_space<vmem>>
        %dma_wait3A_43 = arith.constant 0 : i32
        %dma_wait3A_44 = tpu.memref_slice %arg6[%scan3A_34, %dma_wait3A_43] : memref<125x128xi32, #tpu.memory_space<vmem>> -> memref<1x128xi32, #tpu.memory_space<vmem>>
        %dma_wait3A_45 = tpu.memref_squeeze %dma_wait3A_44 : memref<1x128xi32, #tpu.memory_space<vmem>> -> memref<128xi32, #tpu.memory_space<vmem>>
        %dma_wait3A_46 = arith.constant 0 : i32
        %dma_wait3A_47 = tpu.memref_slice %arg8[%dma_wait3A_46] : memref<1048576xf32, #tpu.memory_space<vmem_shared>> -> memref<1048576xf32, #tpu.memory_space<vmem_shared>>
        tpu.wait_indirect_dma semaphore(%run_scoped3A_37 : memref<!tpu.dma_semaphore, #tpu.memory_space<semaphore_mem>>) src(%dma_wait3A : memref<128xf32, #tpu.memory_space<vmem>>) dst(%dma_wait3A_47 : memref<1048576xf32, #tpu.memory_space<vmem_shared>>)
        tpu.yield
      }) : () -> ()
    }
    %scan3A_32 = arith.constant 125 : i32
    %barrier3A_33 = arith.constant 0 : index
    tpu.barrier barrier_id(%barrier3A_33)
    "tpu.region"() ({
      %run_scoped3A_34 = tpu.sem_alloc : memref<!tpu.dma_semaphore, #tpu.memory_space<semaphore_mem>>
      %dma_start3A = tpu.memref_slice %arg5[%arg0, %mul3A_2] : memref<2x1048576xf32, #tpu.memory_space<hbm>> -> memref<1x65536xf32, #tpu.memory_space<hbm>>
      %dma_start3A_35 = tpu.memref_squeeze %dma_start3A : memref<1x65536xf32, #tpu.memory_space<hbm>> -> memref<65536xf32, #tpu.memory_space<hbm>>
      %dma_start3A_36 = tpu.memref_slice %arg8[%mul3A_2] : memref<1048576xf32, #tpu.memory_space<vmem_shared>> -> memref<65536xf32, #tpu.memory_space<vmem_shared>>
      tpu.enqueue_dma source(%dma_start3A_36 : memref<65536xf32, #tpu.memory_space<vmem_shared>>) target(%dma_start3A_35 : memref<65536xf32, #tpu.memory_space<hbm>>) target_semaphore(%run_scoped3A_34 : memref<!tpu.dma_semaphore, #tpu.memory_space<semaphore_mem>>)
      %dma_wait3A = tpu.memref_slice %arg5[%arg0, %mul3A_2] : memref<2x1048576xf32, #tpu.memory_space<hbm>> -> memref<1x65536xf32, #tpu.memory_space<hbm>>
      %dma_wait3A_37 = tpu.memref_squeeze %dma_wait3A : memref<1x65536xf32, #tpu.memory_space<hbm>> -> memref<65536xf32, #tpu.memory_space<hbm>>
      %dma_wait3A_38 = tpu.memref_slice %arg8[%mul3A_2] : memref<1048576xf32, #tpu.memory_space<vmem_shared>> -> memref<65536xf32, #tpu.memory_space<vmem_shared>>
      tpu.wait_dma2 semaphore(%run_scoped3A_34 : memref<!tpu.dma_semaphore, #tpu.memory_space<semaphore_mem>>) src(%dma_wait3A_38 : memref<65536xf32, #tpu.memory_space<vmem_shared>>) dst(%dma_wait3A_37 : memref<65536xf32, #tpu.memory_space<hbm>>)
      tpu.yield
    }) : () -> ()
    return
  }
}

module attributes {stable_mosaic.version = 14 : i64} {
  func.func @_math_body(%arg0: i32, %arg1: memref<3x4xf32, #tpu.memory_space<smem>>, %arg2: memref<32x3x128xf32, #tpu.memory_space<vmem>>, %arg3: memref<32x3x128xf32, #tpu.memory_space<vmem>>, %arg4: memref<32x4x128xf32, #tpu.memory_space<vmem>>, %arg5: memref<32x3x128xf32, #tpu.memory_space<vmem>>, %arg6: memref<32x1x128xf32, #tpu.memory_space<vmem>>, %arg7: memref<4x32x128xi32, #tpu.memory_space<vmem>>, %arg8: memref<4x32x128xf32, #tpu.memory_space<vmem>>) attributes {dimension_semantics = [#tpu.dimension_semantics<arbitrary>], iteration_bounds = array<i64: 125>, scalar_prefetch = 0 : i64, scratch_operands = 0 : i64, tpu.core_type = #tpu.core_type<tc>, window_params = [{transform_indices = @transform_0, window_bounds = array<i64: 3, 4>}, {transform_indices = @transform_1, window_bounds = array<i64: 32, 3, 128>}, {transform_indices = @transform_2, window_bounds = array<i64: 32, 3, 128>}, {transform_indices = @transform_3, window_bounds = array<i64: 32, 4, 128>}, {transform_indices = @transform_4, window_bounds = array<i64: 32, 3, 128>}, {transform_indices = @transform_5, window_bounds = array<i64: 32, 1, 128>}, {transform_indices = @transform_6, window_bounds = array<i64: 4, 32, 128>}, {transform_indices = @transform_7, window_bounds = array<i64: 4, 32, 128>}]} {
    %get3A = arith.constant 0 : index
    %get3A_0 = arith.constant 0 : index
    %get3A_1 = arith.constant 0 : index
    %get3A_2 = vector.load %arg2[%get3A, %get3A_0, %get3A_1] : memref<32x3x128xf32, #tpu.memory_space<vmem>>, vector<32x1x128xf32>
    %get3A_3 = vector.shape_cast %get3A_2 : vector<32x1x128xf32> to vector<32x128xf32>
    %get3A_4 = arith.constant 0 : index
    %get3A_5 = arith.constant 1 : index
    %get3A_6 = arith.constant 0 : index
    %get3A_7 = vector.load %arg2[%get3A_4, %get3A_5, %get3A_6] : memref<32x3x128xf32, #tpu.memory_space<vmem>>, vector<32x1x128xf32>
    %get3A_8 = vector.shape_cast %get3A_7 : vector<32x1x128xf32> to vector<32x128xf32>
    %get3A_9 = arith.constant 0 : index
    %get3A_10 = arith.constant 2 : index
    %get3A_11 = arith.constant 0 : index
    %get3A_12 = vector.load %arg2[%get3A_9, %get3A_10, %get3A_11] : memref<32x3x128xf32, #tpu.memory_space<vmem>>, vector<32x1x128xf32>
    %get3A_13 = vector.shape_cast %get3A_12 : vector<32x1x128xf32> to vector<32x128xf32>
    %get3A_14 = arith.constant 0 : index
    %get3A_15 = arith.constant 0 : index
    %get3A_16 = arith.constant 0 : index
    %get3A_17 = vector.load %arg3[%get3A_14, %get3A_15, %get3A_16] : memref<32x3x128xf32, #tpu.memory_space<vmem>>, vector<32x1x128xf32>
    %get3A_18 = vector.shape_cast %get3A_17 : vector<32x1x128xf32> to vector<32x128xf32>
    %get3A_19 = arith.constant 0 : index
    %get3A_20 = arith.constant 1 : index
    %get3A_21 = arith.constant 0 : index
    %get3A_22 = vector.load %arg3[%get3A_19, %get3A_20, %get3A_21] : memref<32x3x128xf32, #tpu.memory_space<vmem>>, vector<32x1x128xf32>
    %get3A_23 = vector.shape_cast %get3A_22 : vector<32x1x128xf32> to vector<32x128xf32>
    %get3A_24 = arith.constant 0 : index
    %get3A_25 = arith.constant 2 : index
    %get3A_26 = arith.constant 0 : index
    %get3A_27 = vector.load %arg3[%get3A_24, %get3A_25, %get3A_26] : memref<32x3x128xf32, #tpu.memory_space<vmem>>, vector<32x1x128xf32>
    %get3A_28 = vector.shape_cast %get3A_27 : vector<32x1x128xf32> to vector<32x128xf32>
    %get3A_29 = arith.constant 0 : index
    %get3A_30 = arith.constant 0 : index
    %get3A_31 = arith.constant 0 : index
    %get3A_32 = vector.load %arg4[%get3A_29, %get3A_30, %get3A_31] : memref<32x4x128xf32, #tpu.memory_space<vmem>>, vector<32x1x128xf32>
    %get3A_33 = vector.shape_cast %get3A_32 : vector<32x1x128xf32> to vector<32x128xf32>
    %get3A_34 = arith.constant 0 : index
    %get3A_35 = arith.constant 1 : index
    %get3A_36 = arith.constant 0 : index
    %get3A_37 = vector.load %arg4[%get3A_34, %get3A_35, %get3A_36] : memref<32x4x128xf32, #tpu.memory_space<vmem>>, vector<32x1x128xf32>
    %get3A_38 = vector.shape_cast %get3A_37 : vector<32x1x128xf32> to vector<32x128xf32>
    %get3A_39 = arith.constant 0 : index
    %get3A_40 = arith.constant 2 : index
    %get3A_41 = arith.constant 0 : index
    %get3A_42 = vector.load %arg4[%get3A_39, %get3A_40, %get3A_41] : memref<32x4x128xf32, #tpu.memory_space<vmem>>, vector<32x1x128xf32>
    %get3A_43 = vector.shape_cast %get3A_42 : vector<32x1x128xf32> to vector<32x128xf32>
    %get3A_44 = arith.constant 0 : index
    %get3A_45 = arith.constant 3 : index
    %get3A_46 = arith.constant 0 : index
    %get3A_47 = vector.load %arg4[%get3A_44, %get3A_45, %get3A_46] : memref<32x4x128xf32, #tpu.memory_space<vmem>>, vector<32x1x128xf32>
    %get3A_48 = vector.shape_cast %get3A_47 : vector<32x1x128xf32> to vector<32x128xf32>
    %get3A_49 = arith.constant 0 : index
    %get3A_50 = arith.constant 0 : index
    %get3A_51 = arith.constant 0 : index
    %get3A_52 = vector.load %arg5[%get3A_49, %get3A_50, %get3A_51] : memref<32x3x128xf32, #tpu.memory_space<vmem>>, vector<32x1x128xf32>
    %get3A_53 = vector.shape_cast %get3A_52 : vector<32x1x128xf32> to vector<32x128xf32>
    %get3A_54 = arith.constant 0 : index
    %get3A_55 = arith.constant 1 : index
    %get3A_56 = arith.constant 0 : index
    %get3A_57 = vector.load %arg5[%get3A_54, %get3A_55, %get3A_56] : memref<32x3x128xf32, #tpu.memory_space<vmem>>, vector<32x1x128xf32>
    %get3A_58 = vector.shape_cast %get3A_57 : vector<32x1x128xf32> to vector<32x128xf32>
    %get3A_59 = arith.constant 0 : index
    %get3A_60 = arith.constant 2 : index
    %get3A_61 = arith.constant 0 : index
    %get3A_62 = vector.load %arg5[%get3A_59, %get3A_60, %get3A_61] : memref<32x3x128xf32, #tpu.memory_space<vmem>>, vector<32x1x128xf32>
    %get3A_63 = vector.shape_cast %get3A_62 : vector<32x1x128xf32> to vector<32x128xf32>
    %get3A_64 = arith.constant 0 : index
    %get3A_65 = arith.constant 0 : index
    %get3A_66 = arith.constant 0 : index
    %get3A_67 = vector.load %arg6[%get3A_64, %get3A_65, %get3A_66] : memref<32x1x128xf32, #tpu.memory_space<vmem>>, vector<32x1x128xf32>
    %get3A_68 = vector.shape_cast %get3A_67 : vector<32x1x128xf32> to vector<32x128xf32>
    %get3A_69 = arith.constant 0 : index
    %get3A_70 = arith.constant 0 : index
    %get3A_71 = memref.load %arg1[%get3A_69, %get3A_70] : memref<3x4xf32, #tpu.memory_space<smem>>
    %get3A_72 = arith.constant 0 : index
    %get3A_73 = arith.constant 1 : index
    %get3A_74 = memref.load %arg1[%get3A_72, %get3A_73] : memref<3x4xf32, #tpu.memory_space<smem>>
    %get3A_75 = arith.constant 0 : index
    %get3A_76 = arith.constant 2 : index
    %get3A_77 = memref.load %arg1[%get3A_75, %get3A_76] : memref<3x4xf32, #tpu.memory_space<smem>>
    %get3A_78 = arith.constant 1 : index
    %get3A_79 = arith.constant 0 : index
    %get3A_80 = memref.load %arg1[%get3A_78, %get3A_79] : memref<3x4xf32, #tpu.memory_space<smem>>
    %get3A_81 = arith.constant 1 : index
    %get3A_82 = arith.constant 1 : index
    %get3A_83 = memref.load %arg1[%get3A_81, %get3A_82] : memref<3x4xf32, #tpu.memory_space<smem>>
    %get3A_84 = arith.constant 1 : index
    %get3A_85 = arith.constant 2 : index
    %get3A_86 = memref.load %arg1[%get3A_84, %get3A_85] : memref<3x4xf32, #tpu.memory_space<smem>>
    %get3A_87 = arith.constant 2 : index
    %get3A_88 = arith.constant 0 : index
    %get3A_89 = memref.load %arg1[%get3A_87, %get3A_88] : memref<3x4xf32, #tpu.memory_space<smem>>
    %get3A_90 = arith.constant 2 : index
    %get3A_91 = arith.constant 1 : index
    %get3A_92 = memref.load %arg1[%get3A_90, %get3A_91] : memref<3x4xf32, #tpu.memory_space<smem>>
    %get3A_93 = arith.constant 2 : index
    %get3A_94 = arith.constant 2 : index
    %get3A_95 = memref.load %arg1[%get3A_93, %get3A_94] : memref<3x4xf32, #tpu.memory_space<smem>>
    %convert_element_type3A = arith.truncf %get3A_71 : f32 to bf16
    %convert_element_type3A_96 = arith.extf %convert_element_type3A : bf16 to f32
    %convert_element_type3A_97 = arith.truncf %get3A_74 : f32 to bf16
    %convert_element_type3A_98 = arith.extf %convert_element_type3A_97 : bf16 to f32
    %convert_element_type3A_99 = arith.truncf %get3A_77 : f32 to bf16
    %convert_element_type3A_100 = arith.extf %convert_element_type3A_99 : bf16 to f32
    %convert_element_type3A_101 = arith.truncf %get3A_80 : f32 to bf16
    %convert_element_type3A_102 = arith.extf %convert_element_type3A_101 : bf16 to f32
    %convert_element_type3A_103 = arith.truncf %get3A_83 : f32 to bf16
    %convert_element_type3A_104 = arith.extf %convert_element_type3A_103 : bf16 to f32
    %convert_element_type3A_105 = arith.truncf %get3A_86 : f32 to bf16
    %convert_element_type3A_106 = arith.extf %convert_element_type3A_105 : bf16 to f32
    %convert_element_type3A_107 = arith.truncf %get3A_89 : f32 to bf16
    %convert_element_type3A_108 = arith.extf %convert_element_type3A_107 : bf16 to f32
    %convert_element_type3A_109 = arith.truncf %get3A_92 : f32 to bf16
    %convert_element_type3A_110 = arith.extf %convert_element_type3A_109 : bf16 to f32
    %convert_element_type3A_111 = arith.truncf %get3A_95 : f32 to bf16
    %convert_element_type3A_112 = arith.extf %convert_element_type3A_111 : bf16 to f32
    %get3A_113 = arith.constant 0 : index
    %get3A_114 = arith.constant 3 : index
    %get3A_115 = memref.load %arg1[%get3A_113, %get3A_114] : memref<3x4xf32, #tpu.memory_space<smem>>
    %sub3A = vector.broadcast %get3A_115 : f32 to vector<32x128xf32>
    %sub3A_116 = arith.subf %get3A_3, %sub3A : vector<32x128xf32>
    %convert_element_type3A_117 = arith.truncf %sub3A_116 : vector<32x128xf32> to vector<32x128xbf16>
    %convert_element_type3A_118 = arith.extf %convert_element_type3A_117 : vector<32x128xbf16> to vector<32x128xf32>
    %get3A_119 = arith.constant 1 : index
    %get3A_120 = arith.constant 3 : index
    %get3A_121 = memref.load %arg1[%get3A_119, %get3A_120] : memref<3x4xf32, #tpu.memory_space<smem>>
    %sub3A_122 = vector.broadcast %get3A_121 : f32 to vector<32x128xf32>
    %sub3A_123 = arith.subf %get3A_8, %sub3A_122 : vector<32x128xf32>
    %convert_element_type3A_124 = arith.truncf %sub3A_123 : vector<32x128xf32> to vector<32x128xbf16>
    %convert_element_type3A_125 = arith.extf %convert_element_type3A_124 : vector<32x128xbf16> to vector<32x128xf32>
    %get3A_126 = arith.constant 2 : index
    %get3A_127 = arith.constant 3 : index
    %get3A_128 = memref.load %arg1[%get3A_126, %get3A_127] : memref<3x4xf32, #tpu.memory_space<smem>>
    %sub3A_129 = vector.broadcast %get3A_128 : f32 to vector<32x128xf32>
    %sub3A_130 = arith.subf %get3A_13, %sub3A_129 : vector<32x128xf32>
    %convert_element_type3A_131 = arith.truncf %sub3A_130 : vector<32x128xf32> to vector<32x128xbf16>
    %convert_element_type3A_132 = arith.extf %convert_element_type3A_131 : vector<32x128xbf16> to vector<32x128xf32>
    %mul3A = vector.broadcast %convert_element_type3A_96 : f32 to vector<32x128xf32>
    %mul3A_133 = arith.mulf %mul3A, %convert_element_type3A_118 : vector<32x128xf32>
    %mul3A_134 = vector.broadcast %convert_element_type3A_102 : f32 to vector<32x128xf32>
    %mul3A_135 = arith.mulf %mul3A_134, %convert_element_type3A_125 : vector<32x128xf32>
    %add3A = arith.addf %mul3A_133, %mul3A_135 : vector<32x128xf32>
    %mul3A_136 = vector.broadcast %convert_element_type3A_108 : f32 to vector<32x128xf32>
    %mul3A_137 = arith.mulf %mul3A_136, %convert_element_type3A_132 : vector<32x128xf32>
    %add3A_138 = arith.addf %add3A, %mul3A_137 : vector<32x128xf32>
    %mul3A_139 = vector.broadcast %convert_element_type3A_98 : f32 to vector<32x128xf32>
    %mul3A_140 = arith.mulf %mul3A_139, %convert_element_type3A_118 : vector<32x128xf32>
    %mul3A_141 = vector.broadcast %convert_element_type3A_104 : f32 to vector<32x128xf32>
    %mul3A_142 = arith.mulf %mul3A_141, %convert_element_type3A_125 : vector<32x128xf32>
    %add3A_143 = arith.addf %mul3A_140, %mul3A_142 : vector<32x128xf32>
    %mul3A_144 = vector.broadcast %convert_element_type3A_110 : f32 to vector<32x128xf32>
    %mul3A_145 = arith.mulf %mul3A_144, %convert_element_type3A_132 : vector<32x128xf32>
    %add3A_146 = arith.addf %add3A_143, %mul3A_145 : vector<32x128xf32>
    %mul3A_147 = vector.broadcast %convert_element_type3A_100 : f32 to vector<32x128xf32>
    %mul3A_148 = arith.mulf %mul3A_147, %convert_element_type3A_118 : vector<32x128xf32>
    %mul3A_149 = vector.broadcast %convert_element_type3A_106 : f32 to vector<32x128xf32>
    %mul3A_150 = arith.mulf %mul3A_149, %convert_element_type3A_125 : vector<32x128xf32>
    %add3A_151 = arith.addf %mul3A_148, %mul3A_150 : vector<32x128xf32>
    %mul3A_152 = vector.broadcast %convert_element_type3A_112 : f32 to vector<32x128xf32>
    %mul3A_153 = arith.mulf %mul3A_152, %convert_element_type3A_132 : vector<32x128xf32>
    %add3A_154 = arith.addf %add3A_151, %mul3A_153 : vector<32x128xf32>
    %max3A = arith.constant 1.000000e-03 : f32
    %max3A_155 = vector.broadcast %max3A : f32 to vector<32x128xf32>
    %max3A_156 = arith.maximumf %add3A_154, %max3A_155 : vector<32x128xf32>
    %div3A = arith.divf %add3A_138, %max3A_156 : vector<32x128xf32>
    %div3A_157 = arith.divf %add3A_146, %max3A_156 : vector<32x128xf32>
    %mul3A_158 = arith.mulf %get3A_33, %get3A_33 : vector<32x128xf32>
    %mul3A_159 = arith.mulf %get3A_38, %get3A_38 : vector<32x128xf32>
    %add3A_160 = arith.addf %mul3A_158, %mul3A_159 : vector<32x128xf32>
    %mul3A_161 = arith.mulf %get3A_43, %get3A_43 : vector<32x128xf32>
    %add3A_162 = arith.addf %add3A_160, %mul3A_161 : vector<32x128xf32>
    %mul3A_163 = arith.mulf %get3A_48, %get3A_48 : vector<32x128xf32>
    %add3A_164 = arith.addf %add3A_162, %mul3A_163 : vector<32x128xf32>
    %sqrt3A = math.sqrt %add3A_164 : vector<32x128xf32>
    %add3A_165 = arith.constant 9.99999993E-9 : f32
    %add3A_166 = vector.broadcast %add3A_165 : f32 to vector<32x128xf32>
    %add3A_167 = arith.addf %sqrt3A, %add3A_166 : vector<32x128xf32>
    %div3A_168 = arith.divf %get3A_33, %add3A_167 : vector<32x128xf32>
    %div3A_169 = arith.divf %get3A_38, %add3A_167 : vector<32x128xf32>
    %div3A_170 = arith.divf %get3A_43, %add3A_167 : vector<32x128xf32>
    %div3A_171 = arith.divf %get3A_48, %add3A_167 : vector<32x128xf32>
    %mul3A_172 = arith.mulf %div3A_170, %div3A_170 : vector<32x128xf32>
    %mul3A_173 = arith.mulf %div3A_171, %div3A_171 : vector<32x128xf32>
    %add3A_174 = arith.addf %mul3A_172, %mul3A_173 : vector<32x128xf32>
    %mul3A_175 = arith.constant 2.000000e+00 : f32
    %mul3A_176 = vector.broadcast %mul3A_175 : f32 to vector<32x128xf32>
    %mul3A_177 = arith.mulf %mul3A_176, %add3A_174 : vector<32x128xf32>
    %sub3A_178 = arith.constant 1.000000e+00 : f32
    %sub3A_179 = vector.broadcast %sub3A_178 : f32 to vector<32x128xf32>
    %sub3A_180 = arith.subf %sub3A_179, %mul3A_177 : vector<32x128xf32>
    %mul3A_181 = arith.mulf %div3A_169, %div3A_170 : vector<32x128xf32>
    %mul3A_182 = arith.mulf %div3A_168, %div3A_171 : vector<32x128xf32>
    %sub3A_183 = arith.subf %mul3A_181, %mul3A_182 : vector<32x128xf32>
    %mul3A_184 = arith.constant 2.000000e+00 : f32
    %mul3A_185 = vector.broadcast %mul3A_184 : f32 to vector<32x128xf32>
    %mul3A_186 = arith.mulf %mul3A_185, %sub3A_183 : vector<32x128xf32>
    %mul3A_187 = arith.mulf %div3A_169, %div3A_171 : vector<32x128xf32>
    %mul3A_188 = arith.mulf %div3A_168, %div3A_170 : vector<32x128xf32>
    %add3A_189 = arith.addf %mul3A_187, %mul3A_188 : vector<32x128xf32>
    %mul3A_190 = arith.constant 2.000000e+00 : f32
    %mul3A_191 = vector.broadcast %mul3A_190 : f32 to vector<32x128xf32>
    %mul3A_192 = arith.mulf %mul3A_191, %add3A_189 : vector<32x128xf32>
    %mul3A_193 = arith.mulf %div3A_169, %div3A_170 : vector<32x128xf32>
    %mul3A_194 = arith.mulf %div3A_168, %div3A_171 : vector<32x128xf32>
    %add3A_195 = arith.addf %mul3A_193, %mul3A_194 : vector<32x128xf32>
    %mul3A_196 = arith.constant 2.000000e+00 : f32
    %mul3A_197 = vector.broadcast %mul3A_196 : f32 to vector<32x128xf32>
    %mul3A_198 = arith.mulf %mul3A_197, %add3A_195 : vector<32x128xf32>
    %mul3A_199 = arith.mulf %div3A_169, %div3A_169 : vector<32x128xf32>
    %mul3A_200 = arith.mulf %div3A_171, %div3A_171 : vector<32x128xf32>
    %add3A_201 = arith.addf %mul3A_199, %mul3A_200 : vector<32x128xf32>
    %mul3A_202 = arith.constant 2.000000e+00 : f32
    %mul3A_203 = vector.broadcast %mul3A_202 : f32 to vector<32x128xf32>
    %mul3A_204 = arith.mulf %mul3A_203, %add3A_201 : vector<32x128xf32>
    %sub3A_205 = arith.constant 1.000000e+00 : f32
    %sub3A_206 = vector.broadcast %sub3A_205 : f32 to vector<32x128xf32>
    %sub3A_207 = arith.subf %sub3A_206, %mul3A_204 : vector<32x128xf32>
    %mul3A_208 = arith.mulf %div3A_170, %div3A_171 : vector<32x128xf32>
    %mul3A_209 = arith.mulf %div3A_168, %div3A_169 : vector<32x128xf32>
    %sub3A_210 = arith.subf %mul3A_208, %mul3A_209 : vector<32x128xf32>
    %mul3A_211 = arith.constant 2.000000e+00 : f32
    %mul3A_212 = vector.broadcast %mul3A_211 : f32 to vector<32x128xf32>
    %mul3A_213 = arith.mulf %mul3A_212, %sub3A_210 : vector<32x128xf32>
    %mul3A_214 = arith.mulf %div3A_169, %div3A_171 : vector<32x128xf32>
    %mul3A_215 = arith.mulf %div3A_168, %div3A_170 : vector<32x128xf32>
    %sub3A_216 = arith.subf %mul3A_214, %mul3A_215 : vector<32x128xf32>
    %mul3A_217 = arith.constant 2.000000e+00 : f32
    %mul3A_218 = vector.broadcast %mul3A_217 : f32 to vector<32x128xf32>
    %mul3A_219 = arith.mulf %mul3A_218, %sub3A_216 : vector<32x128xf32>
    %mul3A_220 = arith.mulf %div3A_170, %div3A_171 : vector<32x128xf32>
    %mul3A_221 = arith.mulf %div3A_168, %div3A_169 : vector<32x128xf32>
    %add3A_222 = arith.addf %mul3A_220, %mul3A_221 : vector<32x128xf32>
    %mul3A_223 = arith.constant 2.000000e+00 : f32
    %mul3A_224 = vector.broadcast %mul3A_223 : f32 to vector<32x128xf32>
    %mul3A_225 = arith.mulf %mul3A_224, %add3A_222 : vector<32x128xf32>
    %mul3A_226 = arith.mulf %div3A_169, %div3A_169 : vector<32x128xf32>
    %mul3A_227 = arith.mulf %div3A_170, %div3A_170 : vector<32x128xf32>
    %add3A_228 = arith.addf %mul3A_226, %mul3A_227 : vector<32x128xf32>
    %mul3A_229 = arith.constant 2.000000e+00 : f32
    %mul3A_230 = vector.broadcast %mul3A_229 : f32 to vector<32x128xf32>
    %mul3A_231 = arith.mulf %mul3A_230, %add3A_228 : vector<32x128xf32>
    %sub3A_232 = arith.constant 1.000000e+00 : f32
    %sub3A_233 = vector.broadcast %sub3A_232 : f32 to vector<32x128xf32>
    %sub3A_234 = arith.subf %sub3A_233, %mul3A_231 : vector<32x128xf32>
    %mul3A_235 = arith.mulf %get3A_53, %sub3A_180 : vector<32x128xf32>
    %convert_element_type3A_236 = arith.truncf %mul3A_235 : vector<32x128xf32> to vector<32x128xbf16>
    %convert_element_type3A_237 = arith.extf %convert_element_type3A_236 : vector<32x128xbf16> to vector<32x128xf32>
    %mul3A_238 = arith.mulf %get3A_58, %mul3A_186 : vector<32x128xf32>
    %convert_element_type3A_239 = arith.truncf %mul3A_238 : vector<32x128xf32> to vector<32x128xbf16>
    %convert_element_type3A_240 = arith.extf %convert_element_type3A_239 : vector<32x128xbf16> to vector<32x128xf32>
    %mul3A_241 = arith.mulf %get3A_63, %mul3A_192 : vector<32x128xf32>
    %convert_element_type3A_242 = arith.truncf %mul3A_241 : vector<32x128xf32> to vector<32x128xbf16>
    %convert_element_type3A_243 = arith.extf %convert_element_type3A_242 : vector<32x128xbf16> to vector<32x128xf32>
    %mul3A_244 = arith.mulf %get3A_53, %mul3A_198 : vector<32x128xf32>
    %convert_element_type3A_245 = arith.truncf %mul3A_244 : vector<32x128xf32> to vector<32x128xbf16>
    %convert_element_type3A_246 = arith.extf %convert_element_type3A_245 : vector<32x128xbf16> to vector<32x128xf32>
    %mul3A_247 = arith.mulf %get3A_58, %sub3A_207 : vector<32x128xf32>
    %convert_element_type3A_248 = arith.truncf %mul3A_247 : vector<32x128xf32> to vector<32x128xbf16>
    %convert_element_type3A_249 = arith.extf %convert_element_type3A_248 : vector<32x128xbf16> to vector<32x128xf32>
    %mul3A_250 = arith.mulf %get3A_63, %mul3A_213 : vector<32x128xf32>
    %convert_element_type3A_251 = arith.truncf %mul3A_250 : vector<32x128xf32> to vector<32x128xbf16>
    %convert_element_type3A_252 = arith.extf %convert_element_type3A_251 : vector<32x128xbf16> to vector<32x128xf32>
    %mul3A_253 = arith.mulf %get3A_53, %mul3A_219 : vector<32x128xf32>
    %convert_element_type3A_254 = arith.truncf %mul3A_253 : vector<32x128xf32> to vector<32x128xbf16>
    %convert_element_type3A_255 = arith.extf %convert_element_type3A_254 : vector<32x128xbf16> to vector<32x128xf32>
    %mul3A_256 = arith.mulf %get3A_58, %mul3A_225 : vector<32x128xf32>
    %convert_element_type3A_257 = arith.truncf %mul3A_256 : vector<32x128xf32> to vector<32x128xbf16>
    %convert_element_type3A_258 = arith.extf %convert_element_type3A_257 : vector<32x128xbf16> to vector<32x128xf32>
    %mul3A_259 = arith.mulf %get3A_63, %sub3A_234 : vector<32x128xf32>
    %convert_element_type3A_260 = arith.truncf %mul3A_259 : vector<32x128xf32> to vector<32x128xbf16>
    %convert_element_type3A_261 = arith.extf %convert_element_type3A_260 : vector<32x128xbf16> to vector<32x128xf32>
    %mul3A_262 = arith.mulf %convert_element_type3A_237, %convert_element_type3A_237 : vector<32x128xf32>
    %mul3A_263 = arith.mulf %convert_element_type3A_240, %convert_element_type3A_240 : vector<32x128xf32>
    %add3A_264 = arith.addf %mul3A_262, %mul3A_263 : vector<32x128xf32>
    %mul3A_265 = arith.mulf %convert_element_type3A_243, %convert_element_type3A_243 : vector<32x128xf32>
    %add3A_266 = arith.addf %add3A_264, %mul3A_265 : vector<32x128xf32>
    %mul3A_267 = arith.mulf %convert_element_type3A_237, %convert_element_type3A_246 : vector<32x128xf32>
    %mul3A_268 = arith.mulf %convert_element_type3A_240, %convert_element_type3A_249 : vector<32x128xf32>
    %add3A_269 = arith.addf %mul3A_267, %mul3A_268 : vector<32x128xf32>
    %mul3A_270 = arith.mulf %convert_element_type3A_243, %convert_element_type3A_252 : vector<32x128xf32>
    %add3A_271 = arith.addf %add3A_269, %mul3A_270 : vector<32x128xf32>
    %mul3A_272 = arith.mulf %convert_element_type3A_237, %convert_element_type3A_255 : vector<32x128xf32>
    %mul3A_273 = arith.mulf %convert_element_type3A_240, %convert_element_type3A_258 : vector<32x128xf32>
    %add3A_274 = arith.addf %mul3A_272, %mul3A_273 : vector<32x128xf32>
    %mul3A_275 = arith.mulf %convert_element_type3A_243, %convert_element_type3A_261 : vector<32x128xf32>
    %add3A_276 = arith.addf %add3A_274, %mul3A_275 : vector<32x128xf32>
    %mul3A_277 = arith.mulf %convert_element_type3A_246, %convert_element_type3A_246 : vector<32x128xf32>
    %mul3A_278 = arith.mulf %convert_element_type3A_249, %convert_element_type3A_249 : vector<32x128xf32>
    %add3A_279 = arith.addf %mul3A_277, %mul3A_278 : vector<32x128xf32>
    %mul3A_280 = arith.mulf %convert_element_type3A_252, %convert_element_type3A_252 : vector<32x128xf32>
    %add3A_281 = arith.addf %add3A_279, %mul3A_280 : vector<32x128xf32>
    %mul3A_282 = arith.mulf %convert_element_type3A_246, %convert_element_type3A_255 : vector<32x128xf32>
    %mul3A_283 = arith.mulf %convert_element_type3A_249, %convert_element_type3A_258 : vector<32x128xf32>
    %add3A_284 = arith.addf %mul3A_282, %mul3A_283 : vector<32x128xf32>
    %mul3A_285 = arith.mulf %convert_element_type3A_252, %convert_element_type3A_261 : vector<32x128xf32>
    %add3A_286 = arith.addf %add3A_284, %mul3A_285 : vector<32x128xf32>
    %mul3A_287 = arith.mulf %convert_element_type3A_255, %convert_element_type3A_255 : vector<32x128xf32>
    %mul3A_288 = arith.mulf %convert_element_type3A_258, %convert_element_type3A_258 : vector<32x128xf32>
    %add3A_289 = arith.addf %mul3A_287, %mul3A_288 : vector<32x128xf32>
    %mul3A_290 = arith.mulf %convert_element_type3A_261, %convert_element_type3A_261 : vector<32x128xf32>
    %add3A_291 = arith.addf %add3A_289, %mul3A_290 : vector<32x128xf32>
    %div3A_292 = arith.constant 1.000000e+00 : f32
    %div3A_293 = vector.broadcast %div3A_292 : f32 to vector<32x128xf32>
    %div3A_294 = arith.divf %div3A_293, %max3A_156 : vector<32x128xf32>
    %convert_element_type3A_295 = arith.truncf %div3A_294 : vector<32x128xf32> to vector<32x128xbf16>
    %convert_element_type3A_296 = arith.extf %convert_element_type3A_295 : vector<32x128xbf16> to vector<32x128xf32>
    %neg3A = arith.constant 0.000000e+00 : f32
    %neg3A_297 = vector.broadcast %neg3A : f32 to vector<32x128xf32>
    %neg3A_298 = arith.subf %neg3A_297, %add3A_138 : vector<32x128xf32>
    %mul3A_299 = arith.mulf %max3A_156, %max3A_156 : vector<32x128xf32>
    %div3A_300 = arith.divf %neg3A_298, %mul3A_299 : vector<32x128xf32>
    %convert_element_type3A_301 = arith.truncf %div3A_300 : vector<32x128xf32> to vector<32x128xbf16>
    %convert_element_type3A_302 = arith.extf %convert_element_type3A_301 : vector<32x128xbf16> to vector<32x128xf32>
    %neg3A_303 = arith.constant 0.000000e+00 : f32
    %neg3A_304 = vector.broadcast %neg3A_303 : f32 to vector<32x128xf32>
    %neg3A_305 = arith.subf %neg3A_304, %add3A_146 : vector<32x128xf32>
    %mul3A_306 = arith.mulf %max3A_156, %max3A_156 : vector<32x128xf32>
    %div3A_307 = arith.divf %neg3A_305, %mul3A_306 : vector<32x128xf32>
    %convert_element_type3A_308 = arith.truncf %div3A_307 : vector<32x128xf32> to vector<32x128xbf16>
    %convert_element_type3A_309 = arith.extf %convert_element_type3A_308 : vector<32x128xbf16> to vector<32x128xf32>
    %mul3A_310 = vector.broadcast %convert_element_type3A_96 : f32 to vector<32x128xf32>
    %mul3A_311 = arith.mulf %convert_element_type3A_296, %mul3A_310 : vector<32x128xf32>
    %mul3A_312 = vector.broadcast %convert_element_type3A_100 : f32 to vector<32x128xf32>
    %mul3A_313 = arith.mulf %convert_element_type3A_302, %mul3A_312 : vector<32x128xf32>
    %add3A_314 = arith.addf %mul3A_311, %mul3A_313 : vector<32x128xf32>
    %mul3A_315 = vector.broadcast %convert_element_type3A_102 : f32 to vector<32x128xf32>
    %mul3A_316 = arith.mulf %convert_element_type3A_296, %mul3A_315 : vector<32x128xf32>
    %mul3A_317 = vector.broadcast %convert_element_type3A_106 : f32 to vector<32x128xf32>
    %mul3A_318 = arith.mulf %convert_element_type3A_302, %mul3A_317 : vector<32x128xf32>
    %add3A_319 = arith.addf %mul3A_316, %mul3A_318 : vector<32x128xf32>
    %mul3A_320 = vector.broadcast %convert_element_type3A_108 : f32 to vector<32x128xf32>
    %mul3A_321 = arith.mulf %convert_element_type3A_296, %mul3A_320 : vector<32x128xf32>
    %mul3A_322 = vector.broadcast %convert_element_type3A_112 : f32 to vector<32x128xf32>
    %mul3A_323 = arith.mulf %convert_element_type3A_302, %mul3A_322 : vector<32x128xf32>
    %add3A_324 = arith.addf %mul3A_321, %mul3A_323 : vector<32x128xf32>
    %mul3A_325 = vector.broadcast %convert_element_type3A_98 : f32 to vector<32x128xf32>
    %mul3A_326 = arith.mulf %convert_element_type3A_296, %mul3A_325 : vector<32x128xf32>
    %mul3A_327 = vector.broadcast %convert_element_type3A_100 : f32 to vector<32x128xf32>
    %mul3A_328 = arith.mulf %convert_element_type3A_309, %mul3A_327 : vector<32x128xf32>
    %add3A_329 = arith.addf %mul3A_326, %mul3A_328 : vector<32x128xf32>
    %mul3A_330 = vector.broadcast %convert_element_type3A_104 : f32 to vector<32x128xf32>
    %mul3A_331 = arith.mulf %convert_element_type3A_296, %mul3A_330 : vector<32x128xf32>
    %mul3A_332 = vector.broadcast %convert_element_type3A_106 : f32 to vector<32x128xf32>
    %mul3A_333 = arith.mulf %convert_element_type3A_309, %mul3A_332 : vector<32x128xf32>
    %add3A_334 = arith.addf %mul3A_331, %mul3A_333 : vector<32x128xf32>
    %mul3A_335 = vector.broadcast %convert_element_type3A_110 : f32 to vector<32x128xf32>
    %mul3A_336 = arith.mulf %convert_element_type3A_296, %mul3A_335 : vector<32x128xf32>
    %mul3A_337 = vector.broadcast %convert_element_type3A_112 : f32 to vector<32x128xf32>
    %mul3A_338 = arith.mulf %convert_element_type3A_309, %mul3A_337 : vector<32x128xf32>
    %add3A_339 = arith.addf %mul3A_336, %mul3A_338 : vector<32x128xf32>
    %convert_element_type3A_340 = arith.truncf %add3A_314 : vector<32x128xf32> to vector<32x128xbf16>
    %convert_element_type3A_341 = arith.extf %convert_element_type3A_340 : vector<32x128xbf16> to vector<32x128xf32>
    %convert_element_type3A_342 = arith.truncf %add3A_319 : vector<32x128xf32> to vector<32x128xbf16>
    %convert_element_type3A_343 = arith.extf %convert_element_type3A_342 : vector<32x128xbf16> to vector<32x128xf32>
    %convert_element_type3A_344 = arith.truncf %add3A_324 : vector<32x128xf32> to vector<32x128xbf16>
    %convert_element_type3A_345 = arith.extf %convert_element_type3A_344 : vector<32x128xbf16> to vector<32x128xf32>
    %convert_element_type3A_346 = arith.truncf %add3A_329 : vector<32x128xf32> to vector<32x128xbf16>
    %convert_element_type3A_347 = arith.extf %convert_element_type3A_346 : vector<32x128xbf16> to vector<32x128xf32>
    %convert_element_type3A_348 = arith.truncf %add3A_334 : vector<32x128xf32> to vector<32x128xbf16>
    %convert_element_type3A_349 = arith.extf %convert_element_type3A_348 : vector<32x128xbf16> to vector<32x128xf32>
    %convert_element_type3A_350 = arith.truncf %add3A_339 : vector<32x128xf32> to vector<32x128xbf16>
    %convert_element_type3A_351 = arith.extf %convert_element_type3A_350 : vector<32x128xbf16> to vector<32x128xf32>
    %convert_element_type3A_352 = arith.truncf %add3A_266 : vector<32x128xf32> to vector<32x128xbf16>
    %convert_element_type3A_353 = arith.extf %convert_element_type3A_352 : vector<32x128xbf16> to vector<32x128xf32>
    %convert_element_type3A_354 = arith.truncf %add3A_271 : vector<32x128xf32> to vector<32x128xbf16>
    %convert_element_type3A_355 = arith.extf %convert_element_type3A_354 : vector<32x128xbf16> to vector<32x128xf32>
    %convert_element_type3A_356 = arith.truncf %add3A_276 : vector<32x128xf32> to vector<32x128xbf16>
    %convert_element_type3A_357 = arith.extf %convert_element_type3A_356 : vector<32x128xbf16> to vector<32x128xf32>
    %convert_element_type3A_358 = arith.truncf %add3A_281 : vector<32x128xf32> to vector<32x128xbf16>
    %convert_element_type3A_359 = arith.extf %convert_element_type3A_358 : vector<32x128xbf16> to vector<32x128xf32>
    %convert_element_type3A_360 = arith.truncf %add3A_286 : vector<32x128xf32> to vector<32x128xbf16>
    %convert_element_type3A_361 = arith.extf %convert_element_type3A_360 : vector<32x128xbf16> to vector<32x128xf32>
    %convert_element_type3A_362 = arith.truncf %add3A_291 : vector<32x128xf32> to vector<32x128xbf16>
    %convert_element_type3A_363 = arith.extf %convert_element_type3A_362 : vector<32x128xbf16> to vector<32x128xf32>
    %mul3A_364 = arith.mulf %convert_element_type3A_341, %convert_element_type3A_353 : vector<32x128xf32>
    %mul3A_365 = arith.mulf %convert_element_type3A_343, %convert_element_type3A_355 : vector<32x128xf32>
    %add3A_366 = arith.addf %mul3A_364, %mul3A_365 : vector<32x128xf32>
    %mul3A_367 = arith.mulf %convert_element_type3A_345, %convert_element_type3A_357 : vector<32x128xf32>
    %add3A_368 = arith.addf %add3A_366, %mul3A_367 : vector<32x128xf32>
    %mul3A_369 = arith.mulf %convert_element_type3A_341, %convert_element_type3A_355 : vector<32x128xf32>
    %mul3A_370 = arith.mulf %convert_element_type3A_343, %convert_element_type3A_359 : vector<32x128xf32>
    %add3A_371 = arith.addf %mul3A_369, %mul3A_370 : vector<32x128xf32>
    %mul3A_372 = arith.mulf %convert_element_type3A_345, %convert_element_type3A_361 : vector<32x128xf32>
    %add3A_373 = arith.addf %add3A_371, %mul3A_372 : vector<32x128xf32>
    %mul3A_374 = arith.mulf %convert_element_type3A_341, %convert_element_type3A_357 : vector<32x128xf32>
    %mul3A_375 = arith.mulf %convert_element_type3A_343, %convert_element_type3A_361 : vector<32x128xf32>
    %add3A_376 = arith.addf %mul3A_374, %mul3A_375 : vector<32x128xf32>
    %mul3A_377 = arith.mulf %convert_element_type3A_345, %convert_element_type3A_363 : vector<32x128xf32>
    %add3A_378 = arith.addf %add3A_376, %mul3A_377 : vector<32x128xf32>
    %mul3A_379 = arith.mulf %convert_element_type3A_347, %convert_element_type3A_353 : vector<32x128xf32>
    %mul3A_380 = arith.mulf %convert_element_type3A_349, %convert_element_type3A_355 : vector<32x128xf32>
    %add3A_381 = arith.addf %mul3A_379, %mul3A_380 : vector<32x128xf32>
    %mul3A_382 = arith.mulf %convert_element_type3A_351, %convert_element_type3A_357 : vector<32x128xf32>
    %add3A_383 = arith.addf %add3A_381, %mul3A_382 : vector<32x128xf32>
    %mul3A_384 = arith.mulf %convert_element_type3A_347, %convert_element_type3A_355 : vector<32x128xf32>
    %mul3A_385 = arith.mulf %convert_element_type3A_349, %convert_element_type3A_359 : vector<32x128xf32>
    %add3A_386 = arith.addf %mul3A_384, %mul3A_385 : vector<32x128xf32>
    %mul3A_387 = arith.mulf %convert_element_type3A_351, %convert_element_type3A_361 : vector<32x128xf32>
    %add3A_388 = arith.addf %add3A_386, %mul3A_387 : vector<32x128xf32>
    %mul3A_389 = arith.mulf %convert_element_type3A_347, %convert_element_type3A_357 : vector<32x128xf32>
    %mul3A_390 = arith.mulf %convert_element_type3A_349, %convert_element_type3A_361 : vector<32x128xf32>
    %add3A_391 = arith.addf %mul3A_389, %mul3A_390 : vector<32x128xf32>
    %mul3A_392 = arith.mulf %convert_element_type3A_351, %convert_element_type3A_363 : vector<32x128xf32>
    %add3A_393 = arith.addf %add3A_391, %mul3A_392 : vector<32x128xf32>
    %convert_element_type3A_394 = arith.truncf %add3A_368 : vector<32x128xf32> to vector<32x128xbf16>
    %convert_element_type3A_395 = arith.extf %convert_element_type3A_394 : vector<32x128xbf16> to vector<32x128xf32>
    %convert_element_type3A_396 = arith.truncf %add3A_373 : vector<32x128xf32> to vector<32x128xbf16>
    %convert_element_type3A_397 = arith.extf %convert_element_type3A_396 : vector<32x128xbf16> to vector<32x128xf32>
    %convert_element_type3A_398 = arith.truncf %add3A_378 : vector<32x128xf32> to vector<32x128xbf16>
    %convert_element_type3A_399 = arith.extf %convert_element_type3A_398 : vector<32x128xbf16> to vector<32x128xf32>
    %convert_element_type3A_400 = arith.truncf %add3A_383 : vector<32x128xf32> to vector<32x128xbf16>
    %convert_element_type3A_401 = arith.extf %convert_element_type3A_400 : vector<32x128xbf16> to vector<32x128xf32>
    %convert_element_type3A_402 = arith.truncf %add3A_388 : vector<32x128xf32> to vector<32x128xbf16>
    %convert_element_type3A_403 = arith.extf %convert_element_type3A_402 : vector<32x128xbf16> to vector<32x128xf32>
    %convert_element_type3A_404 = arith.truncf %add3A_393 : vector<32x128xf32> to vector<32x128xbf16>
    %convert_element_type3A_405 = arith.extf %convert_element_type3A_404 : vector<32x128xbf16> to vector<32x128xf32>
    %mul3A_406 = arith.mulf %convert_element_type3A_395, %convert_element_type3A_341 : vector<32x128xf32>
    %mul3A_407 = arith.mulf %convert_element_type3A_397, %convert_element_type3A_343 : vector<32x128xf32>
    %add3A_408 = arith.addf %mul3A_406, %mul3A_407 : vector<32x128xf32>
    %mul3A_409 = arith.mulf %convert_element_type3A_399, %convert_element_type3A_345 : vector<32x128xf32>
    %add3A_410 = arith.addf %add3A_408, %mul3A_409 : vector<32x128xf32>
    %mul3A_411 = arith.mulf %convert_element_type3A_395, %convert_element_type3A_347 : vector<32x128xf32>
    %mul3A_412 = arith.mulf %convert_element_type3A_397, %convert_element_type3A_349 : vector<32x128xf32>
    %add3A_413 = arith.addf %mul3A_411, %mul3A_412 : vector<32x128xf32>
    %mul3A_414 = arith.mulf %convert_element_type3A_399, %convert_element_type3A_351 : vector<32x128xf32>
    %add3A_415 = arith.addf %add3A_413, %mul3A_414 : vector<32x128xf32>
    %mul3A_416 = arith.mulf %convert_element_type3A_401, %convert_element_type3A_341 : vector<32x128xf32>
    %mul3A_417 = arith.mulf %convert_element_type3A_403, %convert_element_type3A_343 : vector<32x128xf32>
    %add3A_418 = arith.addf %mul3A_416, %mul3A_417 : vector<32x128xf32>
    %mul3A_419 = arith.mulf %convert_element_type3A_405, %convert_element_type3A_345 : vector<32x128xf32>
    %add3A_420 = arith.addf %add3A_418, %mul3A_419 : vector<32x128xf32>
    %mul3A_421 = arith.mulf %convert_element_type3A_401, %convert_element_type3A_347 : vector<32x128xf32>
    %mul3A_422 = arith.mulf %convert_element_type3A_403, %convert_element_type3A_349 : vector<32x128xf32>
    %add3A_423 = arith.addf %mul3A_421, %mul3A_422 : vector<32x128xf32>
    %mul3A_424 = arith.mulf %convert_element_type3A_405, %convert_element_type3A_351 : vector<32x128xf32>
    %add3A_425 = arith.addf %add3A_423, %mul3A_424 : vector<32x128xf32>
    %mul3A_426 = arith.mulf %add3A_410, %add3A_425 : vector<32x128xf32>
    %mul3A_427 = arith.mulf %add3A_415, %add3A_420 : vector<32x128xf32>
    %sub3A_428 = arith.subf %mul3A_426, %mul3A_427 : vector<32x128xf32>
    %abs3A = math.absf %sub3A_428 : vector<32x128xf32>
    %add3A_429 = arith.constant 1.000000e+00 : f32
    %add3A_430 = vector.broadcast %add3A_429 : f32 to vector<32x128xf32>
    %add3A_431 = arith.addf %add3A_430, %abs3A : vector<32x128xf32>
    %sqrt3A_432 = math.sqrt %add3A_431 : vector<32x128xf32>
    %div3A_433 = arith.divf %get3A_68, %sqrt3A_432 : vector<32x128xf32>
    %mul3A_434 = arith.constant 5.120000e+02 : f32
    %mul3A_435 = vector.broadcast %mul3A_434 : f32 to vector<32x128xf32>
    %mul3A_436 = arith.mulf %div3A, %mul3A_435 : vector<32x128xf32>
    %add3A_437 = arith.constant 2.560000e+02 : f32
    %add3A_438 = vector.broadcast %add3A_437 : f32 to vector<32x128xf32>
    %add3A_439 = arith.addf %mul3A_436, %add3A_438 : vector<32x128xf32>
    %mul3A_440 = arith.constant 5.120000e+02 : f32
    %mul3A_441 = vector.broadcast %mul3A_440 : f32 to vector<32x128xf32>
    %mul3A_442 = arith.mulf %div3A_157, %mul3A_441 : vector<32x128xf32>
    %add3A_443 = arith.constant 2.560000e+02 : f32
    %add3A_444 = vector.broadcast %add3A_443 : f32 to vector<32x128xf32>
    %add3A_445 = arith.addf %mul3A_442, %add3A_444 : vector<32x128xf32>
    %floor3A = math.floor %add3A_439 : vector<32x128xf32>
    %jit3A = arith.constant 0.000000e+00 : f32
    %jit3A_446 = arith.constant 511 : i32
    %max3A_447 = vector.broadcast %jit3A : f32 to vector<32x128xf32>
    %max3A_448 = arith.maximumf %max3A_447, %floor3A : vector<32x128xf32>
    %convert_element_type3A_449 = arith.sitofp %jit3A_446 : i32 to f32
    %min3A = vector.broadcast %convert_element_type3A_449 : f32 to vector<32x128xf32>
    %min3A_450 = arith.minimumf %min3A, %max3A_448 : vector<32x128xf32>
    %convert_element_type3A_451 = arith.fptosi %min3A_450 : vector<32x128xf32> to vector<32x128xi32>
    %floor3A_452 = math.floor %add3A_445 : vector<32x128xf32>
    %jit3A_453 = arith.constant 0.000000e+00 : f32
    %jit3A_454 = arith.constant 511 : i32
    %max3A_455 = vector.broadcast %jit3A_453 : f32 to vector<32x128xf32>
    %max3A_456 = arith.maximumf %max3A_455, %floor3A_452 : vector<32x128xf32>
    %convert_element_type3A_457 = arith.sitofp %jit3A_454 : i32 to f32
    %min3A_458 = vector.broadcast %convert_element_type3A_457 : f32 to vector<32x128xf32>
    %min3A_459 = arith.minimumf %min3A_458, %max3A_456 : vector<32x128xf32>
    %convert_element_type3A_460 = arith.fptosi %min3A_459 : vector<32x128xf32> to vector<32x128xi32>
    %mul3A_461 = arith.constant 512 : i32
    %mul3A_462 = vector.broadcast %mul3A_461 : i32 to vector<32x128xi32>
    %mul3A_463 = arith.muli %convert_element_type3A_460, %mul3A_462 : vector<32x128xi32>
    %add3A_464 = arith.addi %mul3A_463, %convert_element_type3A_451 : vector<32x128xi32>
    %swap3A = arith.constant 0 : index
    %swap3A_465 = arith.constant 0 : index
    %swap3A_466 = arith.constant 0 : index
    %swap3A_467 = vector.load %arg7[%swap3A, %swap3A_465, %swap3A_466] : memref<4x32x128xi32, #tpu.memory_space<vmem>>, vector<1x32x128xi32>
    %swap3A_468 = vector.shape_cast %swap3A_467 : vector<1x32x128xi32> to vector<32x128xi32>
    %swap3A_469 = vector.shape_cast %add3A_464 : vector<32x128xi32> to vector<1x32x128xi32>
    tpu.vector_store %arg7[%swap3A, %swap3A_465, %swap3A_466], %swap3A_469 {strides = array<i32>} : memref<4x32x128xi32, #tpu.memory_space<vmem>>, vector<1x32x128xi32>,
    %add3A_470 = arith.constant 262144 : i32
    %add3A_471 = vector.broadcast %add3A_470 : i32 to vector<32x128xi32>
    %add3A_472 = arith.addi %add3A_464, %add3A_471 : vector<32x128xi32>
    %swap3A_473 = arith.constant 1 : index
    %swap3A_474 = arith.constant 0 : index
    %swap3A_475 = arith.constant 0 : index
    %swap3A_476 = vector.load %arg7[%swap3A_473, %swap3A_474, %swap3A_475] : memref<4x32x128xi32, #tpu.memory_space<vmem>>, vector<1x32x128xi32>
    %swap3A_477 = vector.shape_cast %swap3A_476 : vector<1x32x128xi32> to vector<32x128xi32>
    %swap3A_478 = vector.shape_cast %add3A_472 : vector<32x128xi32> to vector<1x32x128xi32>
    tpu.vector_store %arg7[%swap3A_473, %swap3A_474, %swap3A_475], %swap3A_478 {strides = array<i32>} : memref<4x32x128xi32, #tpu.memory_space<vmem>>, vector<1x32x128xi32>,
    %add3A_479 = arith.constant 524288 : i32
    %add3A_480 = vector.broadcast %add3A_479 : i32 to vector<32x128xi32>
    %add3A_481 = arith.addi %add3A_464, %add3A_480 : vector<32x128xi32>
    %swap3A_482 = arith.constant 2 : index
    %swap3A_483 = arith.constant 0 : index
    %swap3A_484 = arith.constant 0 : index
    %swap3A_485 = vector.load %arg7[%swap3A_482, %swap3A_483, %swap3A_484] : memref<4x32x128xi32, #tpu.memory_space<vmem>>, vector<1x32x128xi32>
    %swap3A_486 = vector.shape_cast %swap3A_485 : vector<1x32x128xi32> to vector<32x128xi32>
    %swap3A_487 = vector.shape_cast %add3A_481 : vector<32x128xi32> to vector<1x32x128xi32>
    tpu.vector_store %arg7[%swap3A_482, %swap3A_483, %swap3A_484], %swap3A_487 {strides = array<i32>} : memref<4x32x128xi32, #tpu.memory_space<vmem>>, vector<1x32x128xi32>,
    %add3A_488 = arith.constant 786432 : i32
    %add3A_489 = vector.broadcast %add3A_488 : i32 to vector<32x128xi32>
    %add3A_490 = arith.addi %add3A_464, %add3A_489 : vector<32x128xi32>
    %swap3A_491 = arith.constant 3 : index
    %swap3A_492 = arith.constant 0 : index
    %swap3A_493 = arith.constant 0 : index
    %swap3A_494 = vector.load %arg7[%swap3A_491, %swap3A_492, %swap3A_493] : memref<4x32x128xi32, #tpu.memory_space<vmem>>, vector<1x32x128xi32>
    %swap3A_495 = vector.shape_cast %swap3A_494 : vector<1x32x128xi32> to vector<32x128xi32>
    %swap3A_496 = vector.shape_cast %add3A_490 : vector<32x128xi32> to vector<1x32x128xi32>
    tpu.vector_store %arg7[%swap3A_491, %swap3A_492, %swap3A_493], %swap3A_496 {strides = array<i32>} : memref<4x32x128xi32, #tpu.memory_space<vmem>>, vector<1x32x128xi32>,
    %mul3A_497 = arith.mulf %div3A_433, %get3A_18 : vector<32x128xf32>
    %swap3A_498 = arith.constant 0 : index
    %swap3A_499 = arith.constant 0 : index
    %swap3A_500 = arith.constant 0 : index
    %swap3A_501 = vector.load %arg8[%swap3A_498, %swap3A_499, %swap3A_500] : memref<4x32x128xf32, #tpu.memory_space<vmem>>, vector<1x32x128xf32>
    %swap3A_502 = vector.shape_cast %swap3A_501 : vector<1x32x128xf32> to vector<32x128xf32>
    %swap3A_503 = vector.shape_cast %mul3A_497 : vector<32x128xf32> to vector<1x32x128xf32>
    tpu.vector_store %arg8[%swap3A_498, %swap3A_499, %swap3A_500], %swap3A_503 {strides = array<i32>} : memref<4x32x128xf32, #tpu.memory_space<vmem>>, vector<1x32x128xf32>,
    %mul3A_504 = arith.mulf %div3A_433, %get3A_23 : vector<32x128xf32>
    %swap3A_505 = arith.constant 1 : index
    %swap3A_506 = arith.constant 0 : index
    %swap3A_507 = arith.constant 0 : index
    %swap3A_508 = vector.load %arg8[%swap3A_505, %swap3A_506, %swap3A_507] : memref<4x32x128xf32, #tpu.memory_space<vmem>>, vector<1x32x128xf32>
    %swap3A_509 = vector.shape_cast %swap3A_508 : vector<1x32x128xf32> to vector<32x128xf32>
    %swap3A_510 = vector.shape_cast %mul3A_504 : vector<32x128xf32> to vector<1x32x128xf32>
    tpu.vector_store %arg8[%swap3A_505, %swap3A_506, %swap3A_507], %swap3A_510 {strides = array<i32>} : memref<4x32x128xf32, #tpu.memory_space<vmem>>, vector<1x32x128xf32>,
    %mul3A_511 = arith.mulf %div3A_433, %get3A_28 : vector<32x128xf32>
    %swap3A_512 = arith.constant 2 : index
    %swap3A_513 = arith.constant 0 : index
    %swap3A_514 = arith.constant 0 : index
    %swap3A_515 = vector.load %arg8[%swap3A_512, %swap3A_513, %swap3A_514] : memref<4x32x128xf32, #tpu.memory_space<vmem>>, vector<1x32x128xf32>
    %swap3A_516 = vector.shape_cast %swap3A_515 : vector<1x32x128xf32> to vector<32x128xf32>
    %swap3A_517 = vector.shape_cast %mul3A_511 : vector<32x128xf32> to vector<1x32x128xf32>
    tpu.vector_store %arg8[%swap3A_512, %swap3A_513, %swap3A_514], %swap3A_517 {strides = array<i32>} : memref<4x32x128xf32, #tpu.memory_space<vmem>>, vector<1x32x128xf32>,
    %swap3A_518 = arith.constant 3 : index
    %swap3A_519 = arith.constant 0 : index
    %swap3A_520 = arith.constant 0 : index
    %swap3A_521 = vector.load %arg8[%swap3A_518, %swap3A_519, %swap3A_520] : memref<4x32x128xf32, #tpu.memory_space<vmem>>, vector<1x32x128xf32>
    %swap3A_522 = vector.shape_cast %swap3A_521 : vector<1x32x128xf32> to vector<32x128xf32>
    %swap3A_523 = vector.shape_cast %div3A_433 : vector<32x128xf32> to vector<1x32x128xf32>
    tpu.vector_store %arg8[%swap3A_518, %swap3A_519, %swap3A_520], %swap3A_523 {strides = array<i32>} : memref<4x32x128xf32, #tpu.memory_space<vmem>>, vector<1x32x128xf32>,
    return
  }
  func.func @transform_0(%arg0: i32) -> (i32, i32) {
    %c0_i32 = arith.constant 0 : i32
    %c0_i32_0 = arith.constant 0 : i32
    %c0_i32_1 = arith.constant 0 : i32
    return %c0_i32, %c0_i32_0 : i32, i32
  }
  func.func @transform_1(%arg0: i32) -> (i32, i32, i32) {
    %c0_i32 = arith.constant 0 : i32
    %c0_i32_0 = arith.constant 0 : i32
    %c0_i32_1 = arith.constant 0 : i32
    return %arg0, %c0_i32, %c0_i32_0 : i32, i32, i32
  }
  func.func @transform_2(%arg0: i32) -> (i32, i32, i32) {
    %c0_i32 = arith.constant 0 : i32
    %c0_i32_0 = arith.constant 0 : i32
    %c0_i32_1 = arith.constant 0 : i32
    return %arg0, %c0_i32, %c0_i32_0 : i32, i32, i32
  }
  func.func @transform_3(%arg0: i32) -> (i32, i32, i32) {
    %c0_i32 = arith.constant 0 : i32
    %c0_i32_0 = arith.constant 0 : i32
    %c0_i32_1 = arith.constant 0 : i32
    return %arg0, %c0_i32, %c0_i32_0 : i32, i32, i32
  }
  func.func @transform_4(%arg0: i32) -> (i32, i32, i32) {
    %c0_i32 = arith.constant 0 : i32
    %c0_i32_0 = arith.constant 0 : i32
    %c0_i32_1 = arith.constant 0 : i32
    return %arg0, %c0_i32, %c0_i32_0 : i32, i32, i32
  }
  func.func @transform_5(%arg0: i32) -> (i32, i32, i32) {
    %c0_i32 = arith.constant 0 : i32
    %c0_i32_0 = arith.constant 0 : i32
    %c0_i32_1 = arith.constant 0 : i32
    return %arg0, %c0_i32, %c0_i32_0 : i32, i32, i32
  }
  func.func @transform_6(%arg0: i32) -> (i32, i32, i32) {
    %c0_i32 = arith.constant 0 : i32
    %c0_i32_0 = arith.constant 0 : i32
    %c0_i32_1 = arith.constant 0 : i32
    return %c0_i32, %arg0, %c0_i32_0 : i32, i32, i32
  }
  func.func @transform_7(%arg0: i32) -> (i32, i32, i32) {
    %c0_i32 = arith.constant 0 : i32
    %c0_i32_0 = arith.constant 0 : i32
    %c0_i32_1 = arith.constant 0 : i32
    return %c0_i32, %arg0, %c0_i32_0 : i32, i32, i32
  }
}

module attributes {stable_mosaic.version = 14 : i64} {
  func.func @_final_body(%arg0: i32, %arg1: memref<2x4x4x8x128xf32, #tpu.memory_space<vmem>>, %arg2: memref<3x4x8x128xf32, #tpu.memory_space<vmem>>) attributes {dimension_semantics = [#tpu.dimension_semantics<arbitrary>], iteration_bounds = array<i64: 64>, scalar_prefetch = 0 : i64, scratch_operands = 0 : i64, tpu.core_type = #tpu.core_type<tc>, window_params = [{transform_indices = @transform_0, window_bounds = array<i64: 2, 4, 4, 8, 128>}, {transform_indices = @transform_1, window_bounds = array<i64: 3, 4, 8, 128>}]} {
    %get3A = arith.constant 0 : index
    %get3A_0 = arith.constant 3 : index
    %get3A_1 = arith.constant 0 : index
    %get3A_2 = arith.constant 0 : index
    %get3A_3 = arith.constant 0 : index
    %get3A_4 = vector.load %arg1[%get3A, %get3A_0, %get3A_1, %get3A_2, %get3A_3] : memref<2x4x4x8x128xf32, #tpu.memory_space<vmem>>, vector<1x1x4x8x128xf32>
    %get3A_5 = vector.shape_cast %get3A_4 : vector<1x1x4x8x128xf32> to vector<4x8x128xf32>
    %get3A_6 = arith.constant 1 : index
    %get3A_7 = arith.constant 3 : index
    %get3A_8 = arith.constant 0 : index
    %get3A_9 = arith.constant 0 : index
    %get3A_10 = arith.constant 0 : index
    %get3A_11 = vector.load %arg1[%get3A_6, %get3A_7, %get3A_8, %get3A_9, %get3A_10] : memref<2x4x4x8x128xf32, #tpu.memory_space<vmem>>, vector<1x1x4x8x128xf32>
    %get3A_12 = vector.shape_cast %get3A_11 : vector<1x1x4x8x128xf32> to vector<4x8x128xf32>
    %add3A = arith.addf %get3A_5, %get3A_12 : vector<4x8x128xf32>
    %neg3A = arith.constant 0.000000e+00 : f32
    %neg3A_13 = vector.broadcast %neg3A : f32 to vector<4x8x128xf32>
    %neg3A_14 = arith.subf %neg3A_13, %add3A : vector<4x8x128xf32>
    %exp3A = math.exp %neg3A_14 : vector<4x8x128xf32>
    %sub3A = arith.constant 1.000000e+00 : f32
    %sub3A_15 = vector.broadcast %sub3A : f32 to vector<4x8x128xf32>
    %sub3A_16 = arith.subf %sub3A_15, %exp3A : vector<4x8x128xf32>
    %add3A_17 = arith.constant 9.99999993E-9 : f32
    %add3A_18 = vector.broadcast %add3A_17 : f32 to vector<4x8x128xf32>
    %add3A_19 = arith.addf %add3A, %add3A_18 : vector<4x8x128xf32>
    %div3A = arith.divf %sub3A_16, %add3A_19 : vector<4x8x128xf32>
    %get3A_20 = arith.constant 0 : index
    %get3A_21 = arith.constant 0 : index
    %get3A_22 = arith.constant 0 : index
    %get3A_23 = arith.constant 0 : index
    %get3A_24 = arith.constant 0 : index
    %get3A_25 = vector.load %arg1[%get3A_20, %get3A_21, %get3A_22, %get3A_23, %get3A_24] : memref<2x4x4x8x128xf32, #tpu.memory_space<vmem>>, vector<1x1x4x8x128xf32>
    %get3A_26 = vector.shape_cast %get3A_25 : vector<1x1x4x8x128xf32> to vector<4x8x128xf32>
    %get3A_27 = arith.constant 1 : index
    %get3A_28 = arith.constant 0 : index
    %get3A_29 = arith.constant 0 : index
    %get3A_30 = arith.constant 0 : index
    %get3A_31 = arith.constant 0 : index
    %get3A_32 = vector.load %arg1[%get3A_27, %get3A_28, %get3A_29, %get3A_30, %get3A_31] : memref<2x4x4x8x128xf32, #tpu.memory_space<vmem>>, vector<1x1x4x8x128xf32>
    %get3A_33 = vector.shape_cast %get3A_32 : vector<1x1x4x8x128xf32> to vector<4x8x128xf32>
    %add3A_34 = arith.addf %get3A_26, %get3A_33 : vector<4x8x128xf32>
    %mul3A = arith.mulf %add3A_34, %div3A : vector<4x8x128xf32>
    %swap3A = arith.constant 0 : index
    %swap3A_35 = arith.constant 0 : index
    %swap3A_36 = arith.constant 0 : index
    %swap3A_37 = arith.constant 0 : index
    %swap3A_38 = vector.load %arg2[%swap3A, %swap3A_35, %swap3A_36, %swap3A_37] : memref<3x4x8x128xf32, #tpu.memory_space<vmem>>, vector<1x4x8x128xf32>
    %swap3A_39 = vector.shape_cast %swap3A_38 : vector<1x4x8x128xf32> to vector<4x8x128xf32>
    %swap3A_40 = vector.shape_cast %mul3A : vector<4x8x128xf32> to vector<1x4x8x128xf32>
    tpu.vector_store %arg2[%swap3A, %swap3A_35, %swap3A_36, %swap3A_37], %swap3A_40 {strides = array<i32>} : memref<3x4x8x128xf32, #tpu.memory_space<vmem>>, vector<1x4x8x128xf32>,
    %get3A_41 = arith.constant 0 : index
    %get3A_42 = arith.constant 1 : index
    %get3A_43 = arith.constant 0 : index
    %get3A_44 = arith.constant 0 : index
    %get3A_45 = arith.constant 0 : index
    %get3A_46 = vector.load %arg1[%get3A_41, %get3A_42, %get3A_43, %get3A_44, %get3A_45] : memref<2x4x4x8x128xf32, #tpu.memory_space<vmem>>, vector<1x1x4x8x128xf32>
    %get3A_47 = vector.shape_cast %get3A_46 : vector<1x1x4x8x128xf32> to vector<4x8x128xf32>
    %get3A_48 = arith.constant 1 : index
    %get3A_49 = arith.constant 1 : index
    %get3A_50 = arith.constant 0 : index
    %get3A_51 = arith.constant 0 : index
    %get3A_52 = arith.constant 0 : index
    %get3A_53 = vector.load %arg1[%get3A_48, %get3A_49, %get3A_50, %get3A_51, %get3A_52] : memref<2x4x4x8x128xf32, #tpu.memory_space<vmem>>, vector<1x1x4x8x128xf32>
    %get3A_54 = vector.shape_cast %get3A_53 : vector<1x1x4x8x128xf32> to vector<4x8x128xf32>
    %add3A_55 = arith.addf %get3A_47, %get3A_54 : vector<4x8x128xf32>
    %mul3A_56 = arith.mulf %add3A_55, %div3A : vector<4x8x128xf32>
    %swap3A_57 = arith.constant 1 : index
    %swap3A_58 = arith.constant 0 : index
    %swap3A_59 = arith.constant 0 : index
    %swap3A_60 = arith.constant 0 : index
    %swap3A_61 = vector.load %arg2[%swap3A_57, %swap3A_58, %swap3A_59, %swap3A_60] : memref<3x4x8x128xf32, #tpu.memory_space<vmem>>, vector<1x4x8x128xf32>
    %swap3A_62 = vector.shape_cast %swap3A_61 : vector<1x4x8x128xf32> to vector<4x8x128xf32>
    %swap3A_63 = vector.shape_cast %mul3A_56 : vector<4x8x128xf32> to vector<1x4x8x128xf32>
    tpu.vector_store %arg2[%swap3A_57, %swap3A_58, %swap3A_59, %swap3A_60], %swap3A_63 {strides = array<i32>} : memref<3x4x8x128xf32, #tpu.memory_space<vmem>>, vector<1x4x8x128xf32>,
    %get3A_64 = arith.constant 0 : index
    %get3A_65 = arith.constant 2 : index
    %get3A_66 = arith.constant 0 : index
    %get3A_67 = arith.constant 0 : index
    %get3A_68 = arith.constant 0 : index
    %get3A_69 = vector.load %arg1[%get3A_64, %get3A_65, %get3A_66, %get3A_67, %get3A_68] : memref<2x4x4x8x128xf32, #tpu.memory_space<vmem>>, vector<1x1x4x8x128xf32>
    %get3A_70 = vector.shape_cast %get3A_69 : vector<1x1x4x8x128xf32> to vector<4x8x128xf32>
    %get3A_71 = arith.constant 1 : index
    %get3A_72 = arith.constant 2 : index
    %get3A_73 = arith.constant 0 : index
    %get3A_74 = arith.constant 0 : index
    %get3A_75 = arith.constant 0 : index
    %get3A_76 = vector.load %arg1[%get3A_71, %get3A_72, %get3A_73, %get3A_74, %get3A_75] : memref<2x4x4x8x128xf32, #tpu.memory_space<vmem>>, vector<1x1x4x8x128xf32>
    %get3A_77 = vector.shape_cast %get3A_76 : vector<1x1x4x8x128xf32> to vector<4x8x128xf32>
    %add3A_78 = arith.addf %get3A_70, %get3A_77 : vector<4x8x128xf32>
    %mul3A_79 = arith.mulf %add3A_78, %div3A : vector<4x8x128xf32>
    %swap3A_80 = arith.constant 2 : index
    %swap3A_81 = arith.constant 0 : index
    %swap3A_82 = arith.constant 0 : index
    %swap3A_83 = arith.constant 0 : index
    %swap3A_84 = vector.load %arg2[%swap3A_80, %swap3A_81, %swap3A_82, %swap3A_83] : memref<3x4x8x128xf32, #tpu.memory_space<vmem>>, vector<1x4x8x128xf32>
    %swap3A_85 = vector.shape_cast %swap3A_84 : vector<1x4x8x128xf32> to vector<4x8x128xf32>
    %swap3A_86 = vector.shape_cast %mul3A_79 : vector<4x8x128xf32> to vector<1x4x8x128xf32>
    tpu.vector_store %arg2[%swap3A_80, %swap3A_81, %swap3A_82, %swap3A_83], %swap3A_86 {strides = array<i32>} : memref<3x4x8x128xf32, #tpu.memory_space<vmem>>, vector<1x4x8x128xf32>,
    return
  }
  func.func @transform_0(%arg0: i32) -> (i32, i32, i32, i32, i32) {
    %c0_i32 = arith.constant 0 : i32
    %c0_i32_0 = arith.constant 0 : i32
    %c0_i32_1 = arith.constant 0 : i32
    %c0_i32_2 = arith.constant 0 : i32
    %c0_i32_3 = arith.constant 0 : i32
    return %c0_i32, %c0_i32_0, %arg0, %c0_i32_1, %c0_i32_2 : i32, i32, i32, i32, i32
  }
  func.func @transform_1(%arg0: i32) -> (i32, i32, i32, i32) {
    %c0_i32 = arith.constant 0 : i32
    %c0_i32_0 = arith.constant 0 : i32
    %c0_i32_1 = arith.constant 0 : i32
    %c0_i32_2 = arith.constant 0 : i32
    return %c0_i32, %arg0, %c0_i32_0, %c0_i32_1 : i32, i32, i32, i32
  }
}

</mosaic_0001>

<sc_bundles>
// kernel: kernel.5.cloned.1.call-start
scs
__scs_entry_jumppad:
0x0: {  	(pc) =	sbr.rel $0x88, $3  }
0x1: {  	(tag) =	ssettag $0x0;
	lr =	simm.s32 $0x1  }
0x2: {  	[smem:$0x3F9B] =	sst lr;
	_ =	strace $0xD0000000  }
0x3: {  	_ = 	snop  }
0x4: {  	_ = 	snop  }
0x5: {  	_ = 	snop  }
0x6: {  	_ = 	snop  }
0x7: {  	_ = 	snop  }
__scs_overlays_trampoline_lowered:
0x8: {  	[smem:$0x3FAA] =	sst s0  }
0x9: {  	[smem:$0x3FAB] =	sst s1  }
0xa: {  	[smem:$0x3FAC] =	sst s2  }
0xb: {  	[smem:$0x3FAD] =	sst s3  }
0xc: {  	[smem:$0x3FAE] =	sst s4  }
0xd: {  	[smem:$0x3FAF] =	sst s5  }
0xe: {  	[smem:$0x3FB0] =	sst s6  }
0xf: {  	[smem:$0x3FB1] =	sst s7  }
0x10: {  	[smem:$0x3FB2] =	sst s8  }
0x11: {  	[smem:$0x3FB3] =	sst s9;
	s0 =	simm.s32 @!p0 $0x0  }
0x12: {  	s1 =	sld [smem:$0x3F99];
	s0 =	simm.s32 @p0 $0x1  }
0x13: {  	[smem:$0x3FB4] =	sst s0;
	s0 =	simm.s32 @!p1 $0x0  }
0x14: {  	s2 =	sld [smem:$0x3F98];
	s0 =	simm.s32 @p1 $0x1  }
0x15: {  	[smem:$0x3FB5] =	sst s0;
	s0 =	simm.s32 @!p2 $0x0  }
0x16: {  	s3 =	sld [smem:$0x3FDB];
	s0 =	simm.s32 @p2 $0x1  }
0x17: {  	s4 =	simm.s32 $0x1BF5;
	[smem:$0x3FB7] =	sst s0  }
0x18: {  	s0 =	sld [smem:$0x3F9A];
	_ =	swait.ge [sflag:s4], $0x0  }
0x19: {  	s7 =	sld [smem:$0x3F9B]  }
0x1a: {  	s8 =	sadd.s32 $0xFFFFE003, lr  }
0x1b: {  	s9 =	sadd.s32 $0xFFFFFEF7, lr;
	s5 =	simm.s32 $0xFFFFFFFF;
	p2 =	slt.u32 s8, $0xFFFFF086  }
0x1c: {  	p1 =	slt.u32 s9, $0xF7A;
	s5 =	simm.s32 @!p2 $0x0  }
0x1d: {  	s5 =	simm.s32 @p1 $0x1;
	p0 =	seq.s32 s7, s2  }
0x1e: {  	s7 =	smul.u32 @!p0 $0xF7A, s2;
	p2 =	seq.s32 @!p0 s5, $0x0  }
0x1f: {  	s9 =	smul.u32 $0xF7A, s1;
	s8 =	simm.s32 @!p0 $0x1BF5;
	p2 =	por !p2, p0  }
0x20: {  	[sflag:s8] =	ssyncset.s32 @!p0 $0xFFFFF086;
	s6 =	sadd.s32 @!p0 s3, s7;
	s7 =	simm.s32 @!p0 $0x108  }
0x21: {  	s3 =	sadd.s32 s3, s9;
	s6 =	sadd.s32 @!p0 $0x88, s6;
	s7 =	simm.s32 @p2 $0x1082  }
0x22: {  	[simem:s7], [sflag:s8] =	dma.local @!p0 [hbm:s6], $0xF7A  }
0x23: {  	s9 =	sor.u32 $0xD0000000, s2;
	s6 =	simm.s32 $0x108;
	_ =	swait.ge @!p0 [sflag:s8], $0x0  }
0x24: {  	s3 =	sadd.s32 $0x88, s3;
	s6 =	simm.s32 @!p1 $0x1082;
	[sflag:s4] =	ssyncset.s32 $0xFFFFF086  }
0x25: {  	[simem:s6], [sflag:s4] =	dma.local [hbm:s3], $0xF7A  }
0x26: {  	[smem:$0x3F9B] =	sst s1;
	(tag) =	ssettag s2;
	_ =	strace s9  }
0x27: {  	s1 =	sld [smem:$0x3FAB]  }
0x28: {  	s2 =	sld [smem:$0x3FAC]  }
0x29: {  	s4 =	sld [smem:$0x3FAE]  }
0x2a: {  	p0 =	seq.s32 s5, $0x0;
	s5 =	sld [smem:$0x3FAF]  }
0x2b: {  	s6 =	sld [smem:$0x3FB0]  }
0x2c: {  	s7 =	sld [smem:$0x3FB1]  }
0x2d: {  	s3 =	simm.s32 $0x108;
	s8 =	sld [smem:$0x3FB2]  }
0x2e: {  	s3 =	simm.s32 @!p0 $0x1082;
	s9 =	sld [smem:$0x3FB3]  }
0x2f: {  	lr =	sadd.s32 s0, s3;
	s0 =	sld [smem:$0x3FAA]  }
0x30: {  	s3 =	sld [smem:$0x3FAD]  }
0x31: {  	[smem:$0x3FB6] =	sst s10  }
0x32: {  	s10 =	sld [smem:$0x3FB4];
	_ =	sdelay $0x3  }
0x33: {  	p0 =	seq.s32 s10, $0x1;
	s10 =	sld [smem:$0x3FB6];
	_ =	sdelay $0x3  }
0x34: {  	[smem:$0x3FB6] =	sst s10  }
0x35: {  	s10 =	sld [smem:$0x3FB5];
	_ =	sdelay $0x3  }
0x36: {  	p1 =	seq.s32 s10, $0x1;
	s10 =	sld [smem:$0x3FB6];
	_ =	sdelay $0x3  }
0x37: {  	[smem:$0x3FB6] =	sst s10  }
0x38: {  	s10 =	sld [smem:$0x3FB7]  }
0x39: {  	_ = 	snop;
	(pc) =	sbr.ind lr, $3  }
0x3a: {  	_ = 	snop  }
0x3b: {  	_ = 	snop  }
0x3c: {  	p2 =	seq.s32 s10, $0x1;
	s10 =	sld [smem:$0x3FB6]  }
0x3d: {  	_ =	shalt  }
0x3e: {  	_ =	shalt  }
0x3f: {  	_ =	shalt  }
0x40: {  	_ =	shalt  }
0x41: {  	_ =	shalt  }
0x42: {  	_ =	shalt  }
0x43: {  	_ =	shalt  }
0x44: {  	_ =	shalt  }
0x45: {  	_ =	shalt  }
0x46: {  	_ =	shalt  }
0x47: {  	_ =	shalt  }
0x48: {  	_ =	shalt  }
0x49: {  	_ =	shalt  }
0x4a: {  	_ =	shalt  }
0x4b: {  	_ =	shalt  }
0x4c: {  	_ =	shalt  }
0x4d: {  	_ =	shalt  }
0x4e: {  	_ =	shalt  }
0x4f: {  	_ =	shalt  }
0x50: {  	_ =	shalt  }
0x51: {  	_ =	shalt  }
0x52: {  	_ =	shalt  }
0x53: {  	_ =	shalt  }
0x54: {  	_ =	shalt  }
0x55: {  	_ =	shalt  }
0x56: {  	_ =	shalt  }
0x57: {  	_ =	shalt  }
0x58: {  	_ =	shalt  }
0x59: {  	_ =	shalt  }
0x5a: {  	_ =	shalt  }
0x5b: {  	_ =	shalt  }
0x5c: {  	_ =	shalt  }
0x5d: {  	_ =	shalt  }
0x5e: {  	_ =	shalt  }
0x5f: {  	_ =	shalt  }
0x60: {  	_ =	shalt  }
0x61: {  	_ =	shalt  }
0x62: {  	_ =	shalt  }
0x63: {  	_ =	shalt  }
0x64: {  	_ =	shalt  }
0x65: {  	_ =	shalt  }
0x66: {  	_ =	shalt  }
0x67: {  	_ =	shalt  }
0x68: {  	_ =	shalt  }
0x69: {  	_ =	shalt  }
0x6a: {  	_ =	shalt  }
0x6b: {  	_ =	shalt  }
0x6c: {  	_ =	shalt  }
0x6d: {  	_ =	shalt  }
0x6e: {  	_ =	shalt  }
0x6f: {  	_ =	shalt  }
0x70: {  	_ =	shalt  }
0x71: {  	_ =	shalt  }
0x72: {  	_ =	shalt  }
0x73: {  	_ =	shalt  }
0x74: {  	_ =	shalt  }
0x75: {  	_ =	shalt  }
0x76: {  	_ =	shalt  }
0x77: {  	_ =	shalt  }
0x78: {  	_ =	shalt  }
0x79: {  	_ =	shalt  }
0x7a: {  	_ =	shalt  }
0x7b: {  	_ =	shalt  }
0x7c: {  	_ =	shalt  }
0x7d: {  	_ =	shalt  }
0x7e: {  	_ =	shalt  }
0x7f: {  	_ =	shalt  }
0x80: {  	_ =	shalt  }
0x81: {  	_ =	shalt  }
0x82: {  	_ =	shalt  }
0x83: {  	_ =	shalt  }
0x84: {  	_ =	shalt  }
0x85: {  	_ =	shalt  }
0x86: {  	_ =	shalt  }
0x87: {  	_ =	shalt  }
.Lfunc_end0:
.L_simem_size_0:
called_computation_lowered:
.L_overlay_start_0:
0x88: {  	s2 =	sld [smem:$0x3FD9]  }
0x89: {  	s3 =	sld [smem:$0x3FFE];
	_ =	sdelay $0x1  }
0x8a: {  	s1 =	srdreg.scid  }
0x8b: {  	s0 =	sand.u32 $0x1, s1  }
0x8c: {  	s17 =	sshll.u32 s0, $0xA;
	s2 =	sadd.s32 s3, s2  }
0x8d: {  	s2 =	sadd.s32 s2, s17  }
0x8e: {  	[smem:$0x3FC2] =	sst s2  }
0x8f: {  	_ = 	snop  }
0x90: {  	s2 =	sld [smem:$0x3FD0];
	(tm) =	ssettm $0x1  }
0x91: {  	s18 =	sld [smem:$0x3FFB];
	_ =	sdelay $0x3  }
0x92: {  	_ =	strace s18  }
0x93: {  	s3 =	sld [smem:$0x3FFC];
	_ =	sdelay $0x3  }
0x94: {  	_ =	strace s3  }
0x95: {  	s3 =	sld [smem:$0x3FFD];
	_ =	sdelay $0x3  }
0x96: {  	_ =	strace s3  }
0x97: {  	_ =	strace $0x8FFFFFFF  }
0x98: {  	s19 =	sld [smem:$0x3FDB];
	_ =	sdelay $0x1  }
0x99: {  	s4 =	simm.s32 $_scs_section_size  }
0x9a: {  	s5 =	simm.s32 $_size__tile_overlayer_lowered;
	s6 =	simm.s32 $_tile_overlayer_lowered  }
0x9b: {  	s22 =	simm.s32 $0x1BFF;
	s21 =	sshll.u32 s6, $0x1;
	s3 =	sadd.s32 s4, s19  }
0x9c: {  	s7 =	simm.s32 $0x0;
	s20 =	sshll.u32 s5, $0x1;
	s5 =	sadd.s32 s21, s3  }
0x9d: {  	[timem:s7], [sflag:s22] =	dma.local [hbm:s5], s20  }
0x9e: {  	_ =	swait.ge [sflag:s22], s20  }
0x9f: {  	s4 =	ssub.s32 $0x0, s20;
	[sflag:s22] =	ssyncset.done $0x0  }
0xa0: {  	[sflag:s22] =	ssyncadd.s32 s4;
	_ =	sdelay $0x1  }
0xa1: {  	s23 =	simm.s32 $0x1B8B  }
0xa2: {  	_ =	swait.ge [sflag:s23], $0x1  }
0xa3: {  	[sflag:s23] =	ssyncset.done $0x0  }
0xa4: {  	s25 =	simm.s32 $0x1B8E;
	s24 =	sld [smem:$0x3FFE];
	[sflag:s23] =	ssyncadd.s32 $0xFFFFFFFF  }
0xa5: {  	s26 =	simm.s32 $execute0_lowered;
	[smem:$0x3FD2] =	sst s25  }
0xa6: {  	s5 =	sshll.u32 s26, $0x1;
	_ =	strace $0x80000046;
	[dreg:$0x1] =	wrdreg $0xFFFFFFFF  }
0xa7: {  	s28 =	simm.s32 $_size_execute0_lowered;
	s3 =	sadd.s32 s3, s5;
	[dreg:$0x0] =	wrdreg $0x0  }
0xa8: {  	s5 =	sshll.u32 s28, $0x1;
	[dreg:$0x2] =	wrdreg s3  }
0xa9: {  	[dreg:$0x3] =	wrdreg s5  }
0xaa: {  	[dreg:$0x4] =	wrdreg $0xC0  }
0xab: {  	_ =	task [dreg:s7], $0x5FFFF  }
0xac: {  	[dreg:$0x1] =	wrdreg $0xFFFFFFFF  }
0xad: {  	[dreg:$0x0] =	wrdreg $0x60  }
0xae: {  	[dreg:$0x2] =	wrdreg s24  }
0xaf: {  	[dreg:$0x3] =	wrdreg s2  }
0xb0: {  	[dreg:$0x4] =	wrdreg $0x7D000  }
0xb1: {  	[dreg:$0x5] =	wrdreg $0x9  }
0xb2: {  	_ =	task.clear_ibuf [dreg:s7], $0x6FFFF;
	_ =	strace $0x90000046  }
0xb3: {  	s29 =	simm.s32 $0x9;
	_ =	strace $0x80000048  }
0xb4: {  	_ =	swait.ge [sflag:s29], $0x1  }
0xb5: {  	[sflag:s29] =	ssyncadd.s32 $0xFFFFFFFF  }
0xb6: {  	_ =	strace $0x90000048  }
0xb7: {  	_ =	sfence  }
0xb8: {  	s30 =	sld [smem:$0x0];
	_ =	sdelay $0x2  }
0xb9: {  	s31 =	sshll.u32 s1, $0xD;
	s1 =	sshrl.u32 s1, $0x2  }
0xba: {  	s3 =	sand.u32 $0x4000, s31;
	s1 =	sadd.s32 s1, s30  }
0xbb: {  	s0 =	sor.u32 s3, s0;
	s1 =	sshll.u32 s1, $0x11  }
0xbc: {  	s0 =	sor.u32 s1, s0  }
0xbd: {  	s0 =	sadd.s32 $0x8F2B, s0  }
0xbe: {  	[sflag:s0] =	ssyncadd.remote.s32 $0x1  }
0xbf: {  	_ =	sfence.sel $0xFFFF  }
0xc0: {  	[dreg:$0x0] =	wrdreg $0xFFFFFFFF;
	(pc) =	sbr.abs _section_cstart, $3  }
0xc1: {  	[dreg:$0x1] =	wrdreg $0xFFFFFFFF  }
0xc2: {  	_ =	task.clear_ibuf [dreg:s7], $0x2FFFF;
	_ =	strace $0x9FFFFFFF  }
0xc3: {  	(tm) =	ssettm $0x7FFFFFFF  }
tec
execute0_lowered:
.L_overlay_start_1:
0x0: {  	(tag) =	ssettag $0x1  }
0x1: {  	s5 =	rddreg [dreg:$0x0]  }
0x2: {  	s1 =	rddreg [dreg:$0x1]  }
0x3: {  	s2 =	rddreg [dreg:$0x2]  }
0x4: {  	s0 =	rddreg [dreg:$0x3];
	s3 =	simm.s32 $0x0;
	s6 =	srdreg.scid  }
0x5: {  	s4 =	stileid.u32;
	s18 =	simm.s32 $0x3E80;
	s19 =	simm.s32 $0x80  }
0x6: {  	s20 =	simm.s32 $0x0;
	[smem:$0x7FF] =	sst s3;
	s12 =	sadd.s32 $0x2200, s5  }
0x7: {  	s13 =	sadd.s32 $0x40A00, s5;
	s6 =	sand.u32 $0x1, s6;
	s7 =	sshll.u32 s4, $0x10  }
0x8: {  	s31 =	sshll.u32 s4, $0x6;
	_ =	strace $0x80000047;
	s8 =	sshll.u32 s6, $0x14  }
0x9: {  	s9 =	sshll.u32 s6, $0x4;
	s6 =	ssub.s32 $0x2, s6;
	s16 =	sadd.s32 s7, s2  }
0xa: {  	s8 =	sor.u32 s7, s8;
	s9 =	sor.u32 s4, s9;
	s10 =	sshrl.u32 s6, $0x1  }
0xb: {  	s16 =	sshrl.u32 s16, $0x3;
	s8 =	sshrl.u32 s8, $0x3;
	s9 =	smul.u32 $0xFA00, s9  }
0xc: {  	s15 =	ssub.s32 s6, s10;
	s14 =	sadd.s32 s8, s5;
	s5 =	sor.u32 $0x1C01, s31  }
0xd: {  	s15 =	smax.u32 s15, $0x1;
	s17 =	sshrl.u32 s9, $0x3;
	s14 =	sadd.s32 $0x7F200, s14  }
0xe: {  	s6 =	sadd.s32 s12, s17;
	s7 =	sadd.s32 s13, s17;
	s9 =	sadd.s32 $0x7D0, s17  }
0xf: {  	s11 =	sadd.s32 $0xFA0, s17;
	s17 =	sadd.s32 $0x1770, s17;
	s8 =	sadd.s32 s12, s9  }
0x10: {  	s9 =	sadd.s32 s13, s9;
	s10 =	sadd.s32 s12, s11;
	s11 =	sadd.s32 s13, s11  }
0x11: {  	s12 =	sadd.s32 s12, s17;
	s13 =	sadd.s32 s13, s17;
	s17 =	simm.s32 $0x1  }
.LBB2_1:
0x12: {  	[spmem:s16], [sflag:s5] =	dma.local [hbm:s1], $0x2000  }
0x13: {  	_ =	swait.ge [sflag:s17], $0x2000  }
0x14: {  	[sflag:s17] =	ssyncset.done $0x0  }
0x15: {  	[sflag:s17] =	ssyncadd.s32 $0xFFFFE000  }
0x16: {  	[bflag:$0x0] =	sbarrier.arrive $0xFFFF  }
0x17: {  	[tilespmem:s3], [sflag:$0x1] =	stream.linear.gather [hbm4b:s6+s3], $0x3E80, $0x38;
	[tilespmem:$0x17D00] =	vst v63  }
0x18: {  	_ =	swait.ge [sflag:s17], $0x3E80  }
0x19: {  	[sflag:s17] =	ssyncset.done $0x0  }
0x1a: {  	[sflag:s17] =	ssyncadd.s32 $0xFFFFC180  }
0x1b: {  	[tilespmem:s18], [sflag:$0x1] =	stream.linear.gather [hbm4b:s7+s3], $0x3E80, $0x38;
	[tilespmem:$0x17D00] =	vst v63  }
0x1c: {  	_ =	swait.ge [sflag:s17], $0x3E80  }
0x1d: {  	[sflag:s17] =	ssyncset.done $0x0  }
0x1e: {  	s21 =	simm.s32 $0x0;
	s22 =	simm.s32 $0x3E80;
	[sflag:s17] =	ssyncadd.s32 $0xFFFFC180  }
0x1f: {  	[spmem:s2] =	stream.indirect.scatter.add.f32 [tilespmem:s22], [sflag:$0x1], $0x1, s21, s19, $0xb8;
	[tilespmem:$0x17D00] =	vst v63  }
0x20: {  	s21 =	simm.s32 $0x200;
	_ =	swait.ge [sflag:s17], $0x80  }
.LBB2_2:
0x21: {  	s22 =	sshra.s32 s21, $0x2;
	[sflag:s17] =	ssyncset.done $0x0;
	p0 =	sne.s32 s21, $0xF800  }
.Ltmp0:
0x22: {  	s23 =	sadd.s32 $0x3E80, s22;
	[sflag:s17] =	ssyncadd.s32 $0xFFFFFF80;
	(pc) =	sbr.rel @p0 .LBB2_2-.Ltmp0, $3  }
0x23: {  	[spmem:s2] =	stream.indirect.scatter.add.f32 [tilespmem:s23], [sflag:$0x1], $0x1, s22, s19, $0xb8;
	[tilespmem:$0x17D00] =	vst v63  }
0x24: {  	s21 =	sadd.s32 $0x200, s21;
	_ =	sdelay $0x1  }
0x25: {  	_ =	swait.ge [sflag:s17], $0x80  }
0x26: {  	[sflag:s17] =	ssyncset.done $0x0  }
0x27: {  	s21 =	simm.s32 $0x0;
	[sflag:s17] =	ssyncadd.s32 $0xFFFFFF80  }
0x28: {  	[tilespmem:s21], [sflag:$0x1] =	stream.linear.gather [hbm4b:s8+s21], $0x3E80, $0x38;
	[tilespmem:$0x17D00] =	vst v63  }
0x29: {  	_ =	swait.ge [sflag:s17], $0x3E80  }
0x2a: {  	[sflag:s17] =	ssyncset.done $0x0  }
0x2b: {  	[sflag:s17] =	ssyncadd.s32 $0xFFFFC180  }
0x2c: {  	[tilespmem:s18], [sflag:$0x1] =	stream.linear.gather [hbm4b:s9+s21], $0x3E80, $0x38;
	[tilespmem:$0x17D00] =	vst v63  }
0x2d: {  	_ =	swait.ge [sflag:s17], $0x3E80  }
0x2e: {  	[sflag:s17] =	ssyncset.done $0x0  }
0x2f: {  	s31 =	simm.s32 $0x0;
	s22 =	simm.s32 $0x3E80;
	[sflag:s17] =	ssyncadd.s32 $0xFFFFC180  }
0x30: {  	[spmem:s2] =	stream.indirect.scatter.add.f32 [tilespmem:s22], [sflag:$0x1], $0x1, s31, s19, $0xb8;
	[tilespmem:$0x17D00] =	vst v63  }
0x31: {  	s21 =	simm.s32 $0x200;
	_ =	swait.ge [sflag:s17], $0x80  }
.LBB2_4:
0x32: {  	s22 =	sshra.s32 s21, $0x2;
	[sflag:s17] =	ssyncset.done $0x0;
	p0 =	sne.s32 s21, $0xF800  }
.Ltmp1:
0x33: {  	s23 =	sadd.s32 $0x3E80, s22;
	[sflag:s17] =	ssyncadd.s32 $0xFFFFFF80;
	(pc) =	sbr.rel @p0 .LBB2_4-.Ltmp1, $3  }
0x34: {  	[spmem:s2] =	stream.indirect.scatter.add.f32 [tilespmem:s23], [sflag:$0x1], $0x1, s22, s19, $0xb8;
	[tilespmem:$0x17D00] =	vst v63  }
0x35: {  	s21 =	sadd.s32 $0x200, s21;
	_ =	sdelay $0x1  }
0x36: {  	_ =	swait.ge [sflag:s17], $0x80  }
0x37: {  	[sflag:s17] =	ssyncset.done $0x0  }
0x38: {  	s21 =	simm.s32 $0x0;
	[sflag:s17] =	ssyncadd.s32 $0xFFFFFF80  }
0x39: {  	[tilespmem:s21], [sflag:$0x1] =	stream.linear.gather [hbm4b:s10+s21], $0x3E80, $0x38;
	[tilespmem:$0x17D00] =	vst v63  }
0x3a: {  	_ =	swait.ge [sflag:s17], $0x3E80  }
0x3b: {  	[sflag:s17] =	ssyncset.done $0x0  }
0x3c: {  	[sflag:s17] =	ssyncadd.s32 $0xFFFFC180  }
0x3d: {  	[tilespmem:s18], [sflag:$0x1] =	stream.linear.gather [hbm4b:s11+s21], $0x3E80, $0x38;
	[tilespmem:$0x17D00] =	vst v63  }
0x3e: {  	_ =	swait.ge [sflag:s17], $0x3E80  }
0x3f: {  	[sflag:s17] =	ssyncset.done $0x0  }
0x40: {  	s31 =	simm.s32 $0x0;
	s22 =	simm.s32 $0x3E80;
	[sflag:s17] =	ssyncadd.s32 $0xFFFFC180  }
0x41: {  	[spmem:s2] =	stream.indirect.scatter.add.f32 [tilespmem:s22], [sflag:$0x1], $0x1, s31, s19, $0xb8;
	[tilespmem:$0x17D00] =	vst v63  }
0x42: {  	s21 =	simm.s32 $0x200;
	_ =	swait.ge [sflag:s17], $0x80  }
.LBB2_6:
0x43: {  	s22 =	sshra.s32 s21, $0x2;
	[sflag:s17] =	ssyncset.done $0x0;
	p0 =	sne.s32 s21, $0xF800  }
.Ltmp2:
0x44: {  	s23 =	sadd.s32 $0x3E80, s22;
	[sflag:s17] =	ssyncadd.s32 $0xFFFFFF80;
	(pc) =	sbr.rel @p0 .LBB2_6-.Ltmp2, $3  }
0x45: {  	[spmem:s2] =	stream.indirect.scatter.add.f32 [tilespmem:s23], [sflag:$0x1], $0x1, s22, s19, $0xb8;
	[tilespmem:$0x17D00] =	vst v63  }
0x46: {  	s21 =	sadd.s32 $0x200, s21;
	_ =	sdelay $0x1  }
0x47: {  	_ =	swait.ge [sflag:s17], $0x80  }
0x48: {  	[sflag:s17] =	ssyncset.done $0x0  }
0x49: {  	s21 =	simm.s32 $0x0;
	[sflag:s17] =	ssyncadd.s32 $0xFFFFFF80  }
0x4a: {  	[tilespmem:s21], [sflag:$0x1] =	stream.linear.gather [hbm4b:s12+s21], $0x3E80, $0x38;
	[tilespmem:$0x17D00] =	vst v63  }
0x4b: {  	_ =	swait.ge [sflag:s17], $0x3E80  }
0x4c: {  	[sflag:s17] =	ssyncset.done $0x0  }
0x4d: {  	[sflag:s17] =	ssyncadd.s32 $0xFFFFC180  }
0x4e: {  	[tilespmem:s18], [sflag:$0x1] =	stream.linear.gather [hbm4b:s13+s21], $0x3E80, $0x38;
	[tilespmem:$0x17D00] =	vst v63  }
0x4f: {  	_ =	swait.ge [sflag:s17], $0x3E80  }
0x50: {  	[sflag:s17] =	ssyncset.done $0x0  }
0x51: {  	s31 =	simm.s32 $0x0;
	s22 =	simm.s32 $0x3E80;
	[sflag:s17] =	ssyncadd.s32 $0xFFFFC180  }
0x52: {  	[spmem:s2] =	stream.indirect.scatter.add.f32 [tilespmem:s22], [sflag:$0x1], $0x1, s31, s19, $0xb8;
	[tilespmem:$0x17D00] =	vst v63  }
0x53: {  	s21 =	simm.s32 $0x200;
	_ =	swait.ge [sflag:s17], $0x80  }
.LBB2_8:
0x54: {  	s22 =	sshra.s32 s21, $0x2;
	[sflag:s17] =	ssyncset.done $0x0;
	p0 =	sne.s32 s21, $0xF800  }
.Ltmp3:
0x55: {  	s23 =	sadd.s32 $0x3E80, s22;
	[sflag:s17] =	ssyncadd.s32 $0xFFFFFF80;
	(pc) =	sbr.rel @p0 .LBB2_8-.Ltmp3, $3  }
0x56: {  	[spmem:s2] =	stream.indirect.scatter.add.f32 [tilespmem:s23], [sflag:$0x1], $0x1, s22, s19, $0xb8;
	[tilespmem:$0x17D00] =	vst v63  }
0x57: {  	s21 =	sadd.s32 $0x200, s21;
	_ =	sdelay $0x1  }
0x58: {  	_ =	swait.ge [sflag:s17], $0x80  }
0x59: {  	[sflag:s17] =	ssyncset.done $0x0;
	s20 =	sadd.s32 $0x1, s20  }
0x5a: {  	[sflag:s17] =	ssyncadd.s32 $0xFFFFFF80;
	p0 =	sne.s32 s20, s15  }
.Ltmp4:
0x5b: {  	[bflag:$0x0] =	sbarrier.arrive $0xFFFF;
	(pc) =	sbr.rel @p0 .LBB2_1-.Ltmp4, $4  }
0x5c: {  	[hbm:s14], [sflag:s5] =	dma.local [spmem:s16], $0x2000  }
0x5d: {  	_ =	swait.ge [sflag:s17], $0x2000  }
0x5e: {  	[sflag:s17] =	ssyncset.done $0x0  }
0x5f: {  	[sflag:s17] =	ssyncadd.s32 $0xFFFFE000  }
0x60: {  	_ =	sfence.sel $0x180000  }
0x61: {  	[bflag:$0x0] =	sbarrier.arrive $0xFFFF  }
0x62: {  	p0 =	sne.s32 s4, $0x0;
	_ =	strace $0x90000047  }
0x63: {  	s0 =	sadd.s32 @!p0 $0x100000, s0;
	[bflag:$0x2] =	sbarrier.arrive $0xFFFF  }
0x64: {  	[sflag:s0] =	ssyncadd.tile.s32 @!p0 $0x1;
	_ =	shalt  }
.Lfunc_end2:
_tile_overlayer_lowered:
.L_overlay_start_2:
0x65: {  	(tag) =	ssettag $0x2  }
0x66: {  	s0 =	rddreg [dreg:$0x0];
	s2 =	stileid.u32  }
0x67: {  	s1 =	rddreg [dreg:$0x1];
	p0 =	sne.s32 s2, $0x0  }
0x68: {  	s3 =	rddreg [dreg:$0x2];
	[bflag:$0x3] =	sbarrier.arrive $0xFFFF;
	s2 =	simm.s32 @!p0 $0x1C01  }
0x69: {  	[timem:s3], [sflag:s2] =	dma.local @!p0 [hbm:s0], s1  }
0x6a: {  	s0 =	simm.s32 @!p0 $0x1  }
0x6b: {  	_ =	swait.ge @!p0 [sflag:s0], s1  }
0x6c: {  	s1 =	ssub.s32 @!p0 $0x0, s1;
	[sflag:s0] =	ssyncset.done @!p0 $0x0  }
0x6d: {  	[sflag:s0] =	ssyncadd.s32 @!p0 s1  }
0x6e: {  	[bflag:$0x3] =	sbarrier.arrive $0xFFFF  }
0x6f: {  	_ =	shalt  }

</sc_bundles>
